<compile_context>
chip_gen: v7x
topology: tpu7x:2x2x1
jax: 0.10.2.dev20260603
libtpu: 0.0.44.dev20260713+nightly
codegen_flags: <defaults>
</compile_context>

<pallas_src>
import functools

import jax
import jax.numpy as jnp
import numpy as np
from jax import lax
from jax.experimental import pallas as pl
from jax.experimental.pallas import tpu as pltpu
from jax.experimental.pallas import tpu_sc as plsc

N = 10000
E = 320000
D_FEAT = 128
D_GLOBAL = 16
D_EDGE = 4
D_EMB = 128
N_CLASSES = 8
SIGMA2 = 1.0 + 1e-06
_I0 = np.int32(0)

EP32 = E // 32
BR = 1000
NB_P = EP32 // BR
WREP = 16
ER8 = E // 8
BR8 = 4000
NB_R = ER8 // BR8


def _min_body(ap_ref, out_ref, mn_ref):
    j = pl.program_id(0)

    @pl.when(j == 0)
    def _():
        mn_ref[...] = jnp.full((1, 128), jnp.inf, jnp.float32)
    mn_ref[...] = jnp.minimum(mn_ref[...],
                              jnp.min(ap_ref[...], axis=0, keepdims=True))
    out_ref[...] = mn_ref[...]


def _lane_min(ap):
    return pl.pallas_call(
        _min_body,
        grid=(NB_P,),
        in_specs=[pl.BlockSpec((BR, 128), lambda j: (j, _I0))],
        out_specs=pl.BlockSpec((1, 128), lambda j: (_I0, _I0)),
        out_shape=jax.ShapeDtypeStruct((1, 128), jnp.float32),
        name="edge_min",
        scratch_shapes=[pltpu.VMEM((1, 128), jnp.float32)],
    )(ap)


def _w32_body(ap_ref, m_ref, we_ref, sel_ref, out_ref):
    p = ap_ref[...] - m_ref[...]
    q = jnp.exp(-(p * p) / SIGMA2) * we_ref[...]
    sv = jnp.dot(q, sel_ref[...], preferred_element_type=jnp.float32)
    out_ref[...] = 1.0 / (1.0 + jnp.exp(-sv))


def _w32(ap, m128, we128, sel):
    return pl.pallas_call(
        _w32_body,
        grid=(NB_P,),
        in_specs=[
            pl.BlockSpec((BR, 128), lambda j: (j, _I0)),
            pl.BlockSpec((1, 128), lambda j: (_I0, _I0)),
            pl.BlockSpec((1, 128), lambda j: (_I0, _I0)),
            pl.BlockSpec((128, 32), lambda j: (_I0, _I0)),
        ],
        out_specs=pl.BlockSpec((BR, 32), lambda j: (j, _I0)),
        out_shape=jax.ShapeDtypeStruct((EP32, 32), jnp.float32),
        name="edge_w32",
    )(ap, m128, we128, sel)


def _rep_body(wf_ref, rr_ref, out_ref):
    out_ref[...] = jnp.dot(wf_ref[...], rr_ref[...],
                           preferred_element_type=jnp.float32)


def _replicate(wf, rr):
    return pl.pallas_call(
        _rep_body,
        grid=(NB_R,),
        in_specs=[
            pl.BlockSpec((BR8, 8), lambda j: (j, _I0)),
            pl.BlockSpec((8, 128), lambda j: (_I0, _I0)),
        ],
        out_specs=pl.BlockSpec((BR8, 128), lambda j: (j, _I0)),
        out_shape=jax.ShapeDtypeStruct((ER8, 128), jnp.float32),
        name="edge_w_rep",
    )(wf, rr)


def _edge_weights(edge_attr, We):
    ap = edge_attr.reshape(EP32, 128)
    lane_min = _lane_min(ap)
    min4 = lane_min.reshape(32, D_EDGE).min(axis=0)
    m128 = jnp.tile(min4, 32).reshape(1, 128)
    we128 = jnp.tile(We.reshape(D_EDGE), 32).reshape(1, 128)
    sel = jnp.repeat(jnp.eye(32, dtype=jnp.float32), D_EDGE, axis=0)
    w32 = _w32(ap, m128, we128, sel)
    rr = jnp.repeat(jnp.eye(8, dtype=jnp.float32), WREP, axis=1)
    wrep = _replicate(w32.reshape(ER8, 8), rr)
    return wrep.reshape(E, WREP)


BN = 1000
NB_H = N // BN


def _h_body(x_ref, w1_ref, out_ref):
    out_ref[...] = jnp.dot(x_ref[...], w1_ref[...],
                           preferred_element_type=jnp.float32)


def _node_emb(x_real, W1):
    return pl.pallas_call(
        _h_body,
        grid=(NB_H,),
        in_specs=[
            pl.BlockSpec((BN, D_FEAT), lambda j: (j, _I0)),
            pl.BlockSpec((D_FEAT, D_EMB), lambda j: (_I0, _I0)),
        ],
        out_specs=pl.BlockSpec((BN, D_EMB), lambda j: (j, _I0)),
        out_shape=jax.ShapeDtypeStruct((N, D_EMB), jnp.float32),
        name="h_mm",
    )(x_real, W1)


NTILES = 32
EPT = E // NTILES
C = 125
K = EPT // C
PAIRS = K // 2
RPT = N // 16


def _sc_body(h_hbm, src_hbm, dst_hbm, w_hbm, out_hbm,
             src_v, dst0, dst1, w0, w1, rows0, rows1, agg_sh, sem0, sem1):
    cid = lax.axis_index("c")
    sid = lax.axis_index("s")
    wid = cid * 16 + sid

    def _zb(i, carry):
        for k in range(8):
            rows0[i, pl.ds(k * 16, 16)] = jnp.zeros((16,), jnp.float32)
        return carry
    lax.fori_loop(jnp.int32(0), jnp.int32(C), _zb, jnp.int32(0))
    for t in range(5):
        pltpu.sync_copy(rows0, agg_sh.at[pl.ds(sid * RPT + t * C, C)])
    plsc.subcore_barrier()

    pltpu.sync_copy(src_hbm.at[wid], src_v)

    def _issue(j, rows, dst, w, sem):
        pltpu.async_copy(h_hbm.at[src_v.at[j]], rows, sem)
        pltpu.async_copy(dst_hbm.at[wid, j], dst, sem)
        pltpu.async_copy(w_hbm.at[wid, j], w, sem)

    def _wait(j, rows, dst, w, sem):
        pltpu.make_async_copy(h_hbm.at[src_v.at[j]], rows, sem).wait()
        pltpu.make_async_copy(dst_hbm.at[wid, j], dst, sem).wait()
        pltpu.make_async_copy(w_hbm.at[wid, j], w, sem).wait()

    def _scale(rows, w):
        def body(e, c2):
            off = pl.multiple_of(e * WREP, WREP)
            wj = w[pl.ds(off, WREP)]
            for k in range(8):
                sl = pl.ds(k * 16, 16)
                rows[e, sl] = rows[e, sl] * wj
            return c2
        lax.fori_loop(jnp.int32(0), jnp.int32(C), body, jnp.int32(0))

    _issue(jnp.int32(0), rows0, dst0, w0, sem0)
    _wait(jnp.int32(0), rows0, dst0, w0, sem0)

    def _pair(m, carry):
        a = 2 * m
        b = a + 1

        _issue(b, rows1, dst1, w1, sem1)
        _scale(rows0, w0)
        _wait(b, rows1, dst1, w1, sem1)
        pltpu.sync_copy(rows0, agg_sh.at[dst0], add=True)

        @pl.when(m < PAIRS - 1)
        def _():
            _issue(a + 2, rows0, dst0, w0, sem0)
        _scale(rows1, w1)

        @pl.when(m < PAIRS - 1)
        def _():
            _wait(a + 2, rows0, dst0, w0, sem0)
        pltpu.sync_copy(rows1, agg_sh.at[dst1], add=True)
        return carry
    lax.fori_loop(jnp.int32(0), jnp.int32(PAIRS), _pair, jnp.int32(0))
    plsc.subcore_barrier()

    pltpu.sync_copy(agg_sh.at[pl.ds(sid * RPT, RPT)], out_hbm.at[wid])


def _sc_scatter(h, src3d, dst3d, w3):
    mesh = plsc.VectorSubcoreMesh(core_axis_name="c", subcore_axis_name="s")
    fn = functools.partial(
        pl.kernel,
        out_type=jax.ShapeDtypeStruct((NTILES, RPT, D_EMB), jnp.float32),
        mesh=mesh,
        name="sc_scatter",
        scratch_types=[
            pltpu.VMEM((K, C), jnp.int32),
            pltpu.VMEM((C,), jnp.int32),
            pltpu.VMEM((C,), jnp.int32),
            pltpu.VMEM((C * WREP,), jnp.float32),
            pltpu.VMEM((C * WREP,), jnp.float32),
            pltpu.VMEM((C, D_EMB), jnp.float32),
            pltpu.VMEM((C, D_EMB), jnp.float32),
            pltpu.VMEM_SHARED((N, D_EMB), jnp.float32),
            pltpu.SemaphoreType.DMA,
            pltpu.SemaphoreType.DMA,
        ],
    )(_sc_body)
    return fn(h, src3d, dst3d, w3)


def _final_body(p0_ref, p1_ref, w2_ref, b2_ref, wc_ref, bc_ref, g_ref,
                out_ref, acc_ref):
    j = pl.program_id(0)

    @pl.when(j == 0)
    def _():
        acc_ref[...] = jnp.zeros_like(acc_ref)
        out_ref[...] = jnp.zeros_like(out_ref)

    s = p0_ref[...] + p1_ref[...]
    t = jnp.dot(s, w2_ref[...], preferred_element_type=jnp.float32)
    t = jnp.maximum(t + b2_ref[...], 0.0)
    acc_ref[...] += jnp.sum(t, axis=0, keepdims=True)

    @pl.when(j == NB_H - 1)
    def _():
        o = jnp.dot(acc_ref[...], wc_ref[pl.ds(0, D_EMB), :],
                    preferred_element_type=jnp.float32)
        o += jnp.dot(g_ref[...], wc_ref[pl.ds(D_EMB, D_GLOBAL), :],
                     preferred_element_type=jnp.float32)
        out_ref[...] = o + bc_ref[...]


def _final(parts, W2, b2r, Wc, bcr, g):
    return pl.pallas_call(
        _final_body,
        grid=(NB_H,),
        in_specs=[
            pl.BlockSpec((BN, D_EMB), lambda j: (j, _I0)),
            pl.BlockSpec((BN, D_EMB), lambda j: (j + NB_H, _I0)),
            pl.BlockSpec((D_EMB, D_EMB), lambda j: (_I0, _I0)),
            pl.BlockSpec((1, D_EMB), lambda j: (_I0, _I0)),
            pl.BlockSpec((D_EMB + D_GLOBAL, N_CLASSES), lambda j: (_I0, _I0)),
            pl.BlockSpec((1, N_CLASSES), lambda j: (_I0, _I0)),
            pl.BlockSpec((1, D_GLOBAL), lambda j: (_I0, _I0)),
        ],
        out_specs=pl.BlockSpec((1, N_CLASSES), lambda j: (_I0, _I0)),
        out_shape=jax.ShapeDtypeStruct((1, N_CLASSES), jnp.float32),
        name="final",
        scratch_shapes=[pltpu.VMEM((1, D_EMB), jnp.float32)],
    )(parts, parts, W2, b2r, Wc, bcr, g)


def kernel(x, edge_index, edge_attr, batch, W1, We, W2, b2, Wc, bc):
    src = edge_index[0].astype(jnp.int32)
    dst = edge_index[1].astype(jnp.int32)
    src3d = src.reshape(NTILES, K, C)
    dst3d = dst.reshape(NTILES, K, C)
    x_real = x[:, :D_FEAT]
    g = x[0:1, D_FEAT:]

    w_e = _edge_weights(edge_attr, We)
    w3 = w_e.reshape(NTILES, K, C * WREP)
    h = _node_emb(x_real, W1)
    parts = _sc_scatter(h, src3d, dst3d, w3)
    parts = parts.reshape(2 * N, D_EMB)
    out = _final(parts, W2, b2.reshape(1, D_EMB), Wc,
                 bc.reshape(1, N_CLASSES), g)
    return out

# --- scband reference (transcript-rebuilt; emitter-appended) ---
"""Pipeline reference for scband-graph-explainer-wrapper-28097676050451 (READ-ONLY COPY).

The authoritative reference and input builder live on the scoring server;
editing this copy changes nothing except your own understanding.
"""

import jax, jax.numpy as jnp
import numpy as np
jax.config.update("jax_enable_x64", True)

N = 10000
E = 320000
D_FEAT = 128
D_GLOBAL = 16
D_EDGE = 4
D_EMB = 128
N_CLASSES = 8
SIGMA = 1.0


def setup_inputs(seed: int = 0) -> dict:
    key = jax.random.key(seed)
    ks = jax.random.split(key, 10)
    x = jax.random.normal(ks[0], (N, D_FEAT + D_GLOBAL), dtype=jnp.float32)
    edge_index = jax.random.randint(ks[1], (2, E), 0, N, dtype=jnp.int64)
    edge_attr = jax.random.uniform(ks[2], (E, D_EDGE), dtype=jnp.float32)
    batch = jnp.zeros((N,), dtype=jnp.int64)
    # frozen jepa_model params (simple edge-weighted message passing GNN)
    W1 = jax.random.normal(ks[3], (D_FEAT, D_EMB), dtype=jnp.float32) * 0.05
    We = jax.random.normal(ks[4], (D_EDGE, 1), dtype=jnp.float32) * 0.05
    W2 = jax.random.normal(ks[5], (D_EMB, D_EMB), dtype=jnp.float32) * 0.05
    b2 = jnp.zeros((D_EMB,), dtype=jnp.float32)
    # frozen classifier params
    Wc = jax.random.normal(ks[6], (D_EMB + D_GLOBAL, N_CLASSES), dtype=jnp.float32) * 0.05
    bc = jnp.zeros((N_CLASSES,), dtype=jnp.float32)
    return {"x": x, "edge_index": edge_index, "edge_attr": edge_attr, "batch": batch,
            "W1": W1, "We": We, "W2": W2, "b2": b2, "Wc": Wc, "bc": bc}


def _jepa(x_real, edge_index, edge_attr_exp, W1, We, W2, b2):
    h = x_real @ W1
    src = edge_index[0]
    dst = edge_index[1]
    edge_w = jax.nn.sigmoid(edge_attr_exp @ We)
    msg = h[src] * edge_w
    agg = jax.ops.segment_sum(msg, dst, num_segments=N)
    return jax.nn.relu(agg @ W2 + b2)


def reference(x, edge_index, edge_attr, batch, W1, We, W2, b2, Wc, bc):
    x_real = x[:, :D_FEAT]
    global_feats = x[0, D_FEAT:][None, :]
    # edge_attr path: per-graph scatter-min normalization then RBF
    edge_batch = batch[edge_index[0]]
    min_vals = jax.ops.segment_min(edge_attr, edge_batch, num_segments=1)
    edge_attr_processed = edge_attr - min_vals[edge_batch]
    edge_attr_exp = jnp.exp(-edge_attr_processed ** 2 / (SIGMA ** 2 + 1e-06))
    graph_emb = _jepa(x_real, edge_index, edge_attr_exp, W1, We, W2, b2)
    # global_add_pool
    graph_emb_pooled = jax.ops.segment_sum(graph_emb, batch, num_segments=1)
    combined_features = jnp.concatenate([graph_emb_pooled, global_feats], axis=-1)
    return combined_features @ Wc + bc

if __name__ == "__main__":
    import jax
    _d = setup_inputs()
    print(jax.jit(kernel)(*tuple(_d.values())))

</pallas_src>

<mosaic_0001>
#map = affine_map<(d0, d1) -> (0, 0)>
#map1 = affine_map<(d0, d1) -> (0, 0, 0)>
module attributes {stable_mosaic.version = 14 : i64} {
  func.func @sc_scatter(%arg0: i32, %arg1: i32, %arg2: memref<10000x128xf32, #tpu.memory_space<hbm>>, %arg3: memref<32x80x125xi32, #tpu.memory_space<hbm>>, %arg4: memref<32x80x125xi32, #tpu.memory_space<hbm>>, %arg5: memref<32x80x2000xf32, #tpu.memory_space<hbm>>, %arg6: memref<32x625x128xf32, #tpu.memory_space<hbm>>, %arg7: memref<80x125xi32, #tpu.memory_space<vmem>>, %arg8: memref<125xi32, #tpu.memory_space<vmem>>, %arg9: memref<125xi32, #tpu.memory_space<vmem>>, %arg10: memref<2000xf32, #tpu.memory_space<vmem>>, %arg11: memref<2000xf32, #tpu.memory_space<vmem>>, %arg12: memref<125x128xf32, #tpu.memory_space<vmem>>, %arg13: memref<125x128xf32, #tpu.memory_space<vmem>>, %arg14: memref<10000x128xf32, #tpu.memory_space<vmem_shared>>, %arg15: memref<!tpu.dma_semaphore, #tpu.memory_space<semaphore_mem>>, %arg16: memref<!tpu.dma_semaphore, #tpu.memory_space<semaphore_mem>>) attributes {dimension_semantics = [#tpu.dimension_semantics<core_parallel>, #tpu.dimension_semantics<subcore_parallel>], iteration_bounds = array<i64: 2, 16>, scalar_prefetch = 0 : i64, scratch_operands = 10 : i64, tpu.core_type = #tpu.core_type<sc_vector_subcore>, window_params = [{transform_indices = #map}, {transform_indices = #map1}, {transform_indices = #map1}, {transform_indices = #map1}, {transform_indices = #map1}]} {
    %mul3A = arith.constant 16 : i32
    %mul3A_0 = arith.muli %arg0, %mul3A : i32
    %add3A = arith.addi %mul3A_0, %arg1 : i32
    %while3A = arith.constant 0 : i32
    %while3A_1 = arith.constant 0 : i32
    %while3A_2 = arith.constant 125 : i32
    %while3A_3 = arith.subi %while3A_2, %while3A_1 : i32
    %while3A_4 = arith.addi %while3A_1, %while3A_3 : i32
    %while3A_5 = arith.constant 1 : i32
    %while3A_6 = arith.divsi %while3A_3, %while3A_5 : i32
    %while3A_7 = arith.muli %while3A_6, %while3A_5 : i32
    %while3A_8 = arith.addi %while3A_1, %while3A_7 : i32
    %while3A_9 = arith.constant 1 : i32
    scf.for %while3A_85 = %while3A_1 to %while3A_8 step %while3A_9  : i32 {
      %broadcast_in_dim3A = arith.constant 0.000000e+00 : f32
      %broadcast_in_dim3A_86 = vector.broadcast %broadcast_in_dim3A : f32 to vector<16xf32>
      %swap3A = arith.index_cast %while3A_85 : i32 to index
      %swap3A_87 = arith.constant 0 : index
      %swap3A_88 = tpu.vector_load %arg12[%swap3A, %swap3A_87] {strides = array<i32>} : memref<125x128xf32, #tpu.memory_space<vmem>>, vector<1x16xf32>,
      %swap3A_89 = vector.shape_cast %swap3A_88 : vector<1x16xf32> to vector<16xf32>
      %swap3A_90 = vector.shape_cast %broadcast_in_dim3A_86 : vector<16xf32> to vector<1x16xf32>
      tpu.vector_store %arg12[%swap3A, %swap3A_87], %swap3A_90 {strides = array<i32>} : memref<125x128xf32, #tpu.memory_space<vmem>>, vector<1x16xf32>,
      %broadcast_in_dim3A_91 = arith.constant 0.000000e+00 : f32
      %broadcast_in_dim3A_92 = vector.broadcast %broadcast_in_dim3A_91 : f32 to vector<16xf32>
      %swap3A_93 = arith.index_cast %while3A_85 : i32 to index
      %swap3A_94 = arith.constant 16 : index
      %swap3A_95 = tpu.vector_load %arg12[%swap3A_93, %swap3A_94] {strides = array<i32>} : memref<125x128xf32, #tpu.memory_space<vmem>>, vector<1x16xf32>,
      %swap3A_96 = vector.shape_cast %swap3A_95 : vector<1x16xf32> to vector<16xf32>
      %swap3A_97 = vector.shape_cast %broadcast_in_dim3A_92 : vector<16xf32> to vector<1x16xf32>
      tpu.vector_store %arg12[%swap3A_93, %swap3A_94], %swap3A_97 {strides = array<i32>} : memref<125x128xf32, #tpu.memory_space<vmem>>, vector<1x16xf32>,
      %broadcast_in_dim3A_98 = arith.constant 0.000000e+00 : f32
      %broadcast_in_dim3A_99 = vector.broadcast %broadcast_in_dim3A_98 : f32 to vector<16xf32>
      %swap3A_100 = arith.index_cast %while3A_85 : i32 to index
      %swap3A_101 = arith.constant 32 : index
      %swap3A_102 = tpu.vector_load %arg12[%swap3A_100, %swap3A_101] {strides = array<i32>} : memref<125x128xf32, #tpu.memory_space<vmem>>, vector<1x16xf32>,
      %swap3A_103 = vector.shape_cast %swap3A_102 : vector<1x16xf32> to vector<16xf32>
      %swap3A_104 = vector.shape_cast %broadcast_in_dim3A_99 : vector<16xf32> to vector<1x16xf32>
      tpu.vector_store %arg12[%swap3A_100, %swap3A_101], %swap3A_104 {strides = array<i32>} : memref<125x128xf32, #tpu.memory_space<vmem>>, vector<1x16xf32>,
      %broadcast_in_dim3A_105 = arith.constant 0.000000e+00 : f32
      %broadcast_in_dim3A_106 = vector.broadcast %broadcast_in_dim3A_105 : f32 to vector<16xf32>
      %swap3A_107 = arith.index_cast %while3A_85 : i32 to index
      %swap3A_108 = arith.constant 48 : index
      %swap3A_109 = tpu.vector_load %arg12[%swap3A_107, %swap3A_108] {strides = array<i32>} : memref<125x128xf32, #tpu.memory_space<vmem>>, vector<1x16xf32>,
      %swap3A_110 = vector.shape_cast %swap3A_109 : vector<1x16xf32> to vector<16xf32>
      %swap3A_111 = vector.shape_cast %broadcast_in_dim3A_106 : vector<16xf32> to vector<1x16xf32>
      tpu.vector_store %arg12[%swap3A_107, %swap3A_108], %swap3A_111 {strides = array<i32>} : memref<125x128xf32, #tpu.memory_space<vmem>>, vector<1x16xf32>,
      %broadcast_in_dim3A_112 = arith.constant 0.000000e+00 : f32
      %broadcast_in_dim3A_113 = vector.broadcast %broadcast_in_dim3A_112 : f32 to vector<16xf32>
      %swap3A_114 = arith.index_cast %while3A_85 : i32 to index
      %swap3A_115 = arith.constant 64 : index
      %swap3A_116 = tpu.vector_load %arg12[%swap3A_114, %swap3A_115] {strides = array<i32>} : memref<125x128xf32, #tpu.memory_space<vmem>>, vector<1x16xf32>,
      %swap3A_117 = vector.shape_cast %swap3A_116 : vector<1x16xf32> to vector<16xf32>
      %swap3A_118 = vector.shape_cast %broadcast_in_dim3A_113 : vector<16xf32> to vector<1x16xf32>
      tpu.vector_store %arg12[%swap3A_114, %swap3A_115], %swap3A_118 {strides = array<i32>} : memref<125x128xf32, #tpu.memory_space<vmem>>, vector<1x16xf32>,
      %broadcast_in_dim3A_119 = arith.constant 0.000000e+00 : f32
      %broadcast_in_dim3A_120 = vector.broadcast %broadcast_in_dim3A_119 : f32 to vector<16xf32>
      %swap3A_121 = arith.index_cast %while3A_85 : i32 to index
      %swap3A_122 = arith.constant 80 : index
      %swap3A_123 = tpu.vector_load %arg12[%swap3A_121, %swap3A_122] {strides = array<i32>} : memref<125x128xf32, #tpu.memory_space<vmem>>, vector<1x16xf32>,
      %swap3A_124 = vector.shape_cast %swap3A_123 : vector<1x16xf32> to vector<16xf32>
      %swap3A_125 = vector.shape_cast %broadcast_in_dim3A_120 : vector<16xf32> to vector<1x16xf32>
      tpu.vector_store %arg12[%swap3A_121, %swap3A_122], %swap3A_125 {strides = array<i32>} : memref<125x128xf32, #tpu.memory_space<vmem>>, vector<1x16xf32>,
      %broadcast_in_dim3A_126 = arith.constant 0.000000e+00 : f32
      %broadcast_in_dim3A_127 = vector.broadcast %broadcast_in_dim3A_126 : f32 to vector<16xf32>
      %swap3A_128 = arith.index_cast %while3A_85 : i32 to index
      %swap3A_129 = arith.constant 96 : index
      %swap3A_130 = tpu.vector_load %arg12[%swap3A_128, %swap3A_129] {strides = array<i32>} : memref<125x128xf32, #tpu.memory_space<vmem>>, vector<1x16xf32>,
      %swap3A_131 = vector.shape_cast %swap3A_130 : vector<1x16xf32> to vector<16xf32>
      %swap3A_132 = vector.shape_cast %broadcast_in_dim3A_127 : vector<16xf32> to vector<1x16xf32>
      tpu.vector_store %arg12[%swap3A_128, %swap3A_129], %swap3A_132 {strides = array<i32>} : memref<125x128xf32, #tpu.memory_space<vmem>>, vector<1x16xf32>,
      %broadcast_in_dim3A_133 = arith.constant 0.000000e+00 : f32
      %broadcast_in_dim3A_134 = vector.broadcast %broadcast_in_dim3A_133 : f32 to vector<16xf32>
      %swap3A_135 = arith.index_cast %while3A_85 : i32 to index
      %swap3A_136 = arith.constant 112 : index
      %swap3A_137 = tpu.vector_load %arg12[%swap3A_135, %swap3A_136] {strides = array<i32>} : memref<125x128xf32, #tpu.memory_space<vmem>>, vector<1x16xf32>,
      %swap3A_138 = vector.shape_cast %swap3A_137 : vector<1x16xf32> to vector<16xf32>
      %swap3A_139 = vector.shape_cast %broadcast_in_dim3A_134 : vector<16xf32> to vector<1x16xf32>
      tpu.vector_store %arg12[%swap3A_135, %swap3A_136], %swap3A_139 {strides = array<i32>} : memref<125x128xf32, #tpu.memory_space<vmem>>, vector<1x16xf32>,
    }
    %while3A_10 = arith.constant 1 : i32
    scf.for %while3A_85 = %while3A_8 to %while3A_4 step %while3A_10  : i32 {
      %broadcast_in_dim3A = arith.constant 0.000000e+00 : f32
      %broadcast_in_dim3A_86 = vector.broadcast %broadcast_in_dim3A : f32 to vector<16xf32>
      %swap3A = arith.index_cast %while3A_85 : i32 to index
      %swap3A_87 = arith.constant 0 : index
      %swap3A_88 = tpu.vector_load %arg12[%swap3A, %swap3A_87] {strides = array<i32>} : memref<125x128xf32, #tpu.memory_space<vmem>>, vector<1x16xf32>,
      %swap3A_89 = vector.shape_cast %swap3A_88 : vector<1x16xf32> to vector<16xf32>
      %swap3A_90 = vector.shape_cast %broadcast_in_dim3A_86 : vector<16xf32> to vector<1x16xf32>
      tpu.vector_store %arg12[%swap3A, %swap3A_87], %swap3A_90 {strides = array<i32>} : memref<125x128xf32, #tpu.memory_space<vmem>>, vector<1x16xf32>,
      %broadcast_in_dim3A_91 = arith.constant 0.000000e+00 : f32
      %broadcast_in_dim3A_92 = vector.broadcast %broadcast_in_dim3A_91 : f32 to vector<16xf32>
      %swap3A_93 = arith.index_cast %while3A_85 : i32 to index
      %swap3A_94 = arith.constant 16 : index
      %swap3A_95 = tpu.vector_load %arg12[%swap3A_93, %swap3A_94] {strides = array<i32>} : memref<125x128xf32, #tpu.memory_space<vmem>>, vector<1x16xf32>,
      %swap3A_96 = vector.shape_cast %swap3A_95 : vector<1x16xf32> to vector<16xf32>
      %swap3A_97 = vector.shape_cast %broadcast_in_dim3A_92 : vector<16xf32> to vector<1x16xf32>
      tpu.vector_store %arg12[%swap3A_93, %swap3A_94], %swap3A_97 {strides = array<i32>} : memref<125x128xf32, #tpu.memory_space<vmem>>, vector<1x16xf32>,
      %broadcast_in_dim3A_98 = arith.constant 0.000000e+00 : f32
      %broadcast_in_dim3A_99 = vector.broadcast %broadcast_in_dim3A_98 : f32 to vector<16xf32>
      %swap3A_100 = arith.index_cast %while3A_85 : i32 to index
      %swap3A_101 = arith.constant 32 : index
      %swap3A_102 = tpu.vector_load %arg12[%swap3A_100, %swap3A_101] {strides = array<i32>} : memref<125x128xf32, #tpu.memory_space<vmem>>, vector<1x16xf32>,
      %swap3A_103 = vector.shape_cast %swap3A_102 : vector<1x16xf32> to vector<16xf32>
      %swap3A_104 = vector.shape_cast %broadcast_in_dim3A_99 : vector<16xf32> to vector<1x16xf32>
      tpu.vector_store %arg12[%swap3A_100, %swap3A_101], %swap3A_104 {strides = array<i32>} : memref<125x128xf32, #tpu.memory_space<vmem>>, vector<1x16xf32>,
      %broadcast_in_dim3A_105 = arith.constant 0.000000e+00 : f32
      %broadcast_in_dim3A_106 = vector.broadcast %broadcast_in_dim3A_105 : f32 to vector<16xf32>
      %swap3A_107 = arith.index_cast %while3A_85 : i32 to index
      %swap3A_108 = arith.constant 48 : index
      %swap3A_109 = tpu.vector_load %arg12[%swap3A_107, %swap3A_108] {strides = array<i32>} : memref<125x128xf32, #tpu.memory_space<vmem>>, vector<1x16xf32>,
      %swap3A_110 = vector.shape_cast %swap3A_109 : vector<1x16xf32> to vector<16xf32>
      %swap3A_111 = vector.shape_cast %broadcast_in_dim3A_106 : vector<16xf32> to vector<1x16xf32>
      tpu.vector_store %arg12[%swap3A_107, %swap3A_108], %swap3A_111 {strides = array<i32>} : memref<125x128xf32, #tpu.memory_space<vmem>>, vector<1x16xf32>,
      %broadcast_in_dim3A_112 = arith.constant 0.000000e+00 : f32
      %broadcast_in_dim3A_113 = vector.broadcast %broadcast_in_dim3A_112 : f32 to vector<16xf32>
      %swap3A_114 = arith.index_cast %while3A_85 : i32 to index
      %swap3A_115 = arith.constant 64 : index
      %swap3A_116 = tpu.vector_load %arg12[%swap3A_114, %swap3A_115] {strides = array<i32>} : memref<125x128xf32, #tpu.memory_space<vmem>>, vector<1x16xf32>,
      %swap3A_117 = vector.shape_cast %swap3A_116 : vector<1x16xf32> to vector<16xf32>
      %swap3A_118 = vector.shape_cast %broadcast_in_dim3A_113 : vector<16xf32> to vector<1x16xf32>
      tpu.vector_store %arg12[%swap3A_114, %swap3A_115], %swap3A_118 {strides = array<i32>} : memref<125x128xf32, #tpu.memory_space<vmem>>, vector<1x16xf32>,
      %broadcast_in_dim3A_119 = arith.constant 0.000000e+00 : f32
      %broadcast_in_dim3A_120 = vector.broadcast %broadcast_in_dim3A_119 : f32 to vector<16xf32>
      %swap3A_121 = arith.index_cast %while3A_85 : i32 to index
      %swap3A_122 = arith.constant 80 : index
      %swap3A_123 = tpu.vector_load %arg12[%swap3A_121, %swap3A_122] {strides = array<i32>} : memref<125x128xf32, #tpu.memory_space<vmem>>, vector<1x16xf32>,
      %swap3A_124 = vector.shape_cast %swap3A_123 : vector<1x16xf32> to vector<16xf32>
      %swap3A_125 = vector.shape_cast %broadcast_in_dim3A_120 : vector<16xf32> to vector<1x16xf32>
      tpu.vector_store %arg12[%swap3A_121, %swap3A_122], %swap3A_125 {strides = array<i32>} : memref<125x128xf32, #tpu.memory_space<vmem>>, vector<1x16xf32>,
      %broadcast_in_dim3A_126 = arith.constant 0.000000e+00 : f32
      %broadcast_in_dim3A_127 = vector.broadcast %broadcast_in_dim3A_126 : f32 to vector<16xf32>
      %swap3A_128 = arith.index_cast %while3A_85 : i32 to index
      %swap3A_129 = arith.constant 96 : index
      %swap3A_130 = tpu.vector_load %arg12[%swap3A_128, %swap3A_129] {strides = array<i32>} : memref<125x128xf32, #tpu.memory_space<vmem>>, vector<1x16xf32>,
      %swap3A_131 = vector.shape_cast %swap3A_130 : vector<1x16xf32> to vector<16xf32>
      %swap3A_132 = vector.shape_cast %broadcast_in_dim3A_127 : vector<16xf32> to vector<1x16xf32>
      tpu.vector_store %arg12[%swap3A_128, %swap3A_129], %swap3A_132 {strides = array<i32>} : memref<125x128xf32, #tpu.memory_space<vmem>>, vector<1x16xf32>,
      %broadcast_in_dim3A_133 = arith.constant 0.000000e+00 : f32
      %broadcast_in_dim3A_134 = vector.broadcast %broadcast_in_dim3A_133 : f32 to vector<16xf32>
      %swap3A_135 = arith.index_cast %while3A_85 : i32 to index
      %swap3A_136 = arith.constant 112 : index
      %swap3A_137 = tpu.vector_load %arg12[%swap3A_135, %swap3A_136] {strides = array<i32>} : memref<125x128xf32, #tpu.memory_space<vmem>>, vector<1x16xf32>,
      %swap3A_138 = vector.shape_cast %swap3A_137 : vector<1x16xf32> to vector<16xf32>
      %swap3A_139 = vector.shape_cast %broadcast_in_dim3A_134 : vector<16xf32> to vector<1x16xf32>
      tpu.vector_store %arg12[%swap3A_135, %swap3A_136], %swap3A_139 {strides = array<i32>} : memref<125x128xf32, #tpu.memory_space<vmem>>, vector<1x16xf32>,
    }
    %mul3A_11 = arith.constant 625 : i32
    %mul3A_12 = arith.muli %arg1, %mul3A_11 : i32
    %add3A_13 = arith.constant 0 : i32
    %add3A_14 = arith.addi %mul3A_12, %add3A_13 : i32
    "tpu.region"() ({
      %run_scoped3A = tpu.sem_alloc : memref<!tpu.dma_semaphore, #tpu.memory_space<semaphore_mem>>
      %dma_start3A_85 = arith.constant 0 : i32
      %dma_start3A_86 = tpu.memref_slice %arg14[%add3A_14, %dma_start3A_85] : memref<10000x128xf32, #tpu.memory_space<vmem_shared>> -> memref<125x128xf32, #tpu.memory_space<vmem_shared>>
      %dma_start3A_87 = arith.constant 0 : i32
      %dma_start3A_88 = tpu.memref_slice %arg14[%add3A_14, %dma_start3A_87] : memref<10000x128xf32, #tpu.memory_space<vmem_shared>> -> memref<125x128xf32, #tpu.memory_space<vmem_shared>>
      tpu.enqueue_dma source(%arg12 : memref<125x128xf32, #tpu.memory_space<vmem>>) target(%dma_start3A_88 : memref<125x128xf32, #tpu.memory_space<vmem_shared>>) target_semaphore(%run_scoped3A : memref<!tpu.dma_semaphore, #tpu.memory_space<semaphore_mem>>)
      %dma_wait3A_89 = arith.constant 0 : i32
      %dma_wait3A_90 = tpu.memref_slice %arg14[%add3A_14, %dma_wait3A_89] : memref<10000x128xf32, #tpu.memory_space<vmem_shared>> -> memref<125x128xf32, #tpu.memory_space<vmem_shared>>
      %dma_wait3A_91 = arith.constant 0 : i32
      %dma_wait3A_92 = tpu.memref_slice %arg14[%add3A_14, %dma_wait3A_91] : memref<10000x128xf32, #tpu.memory_space<vmem_shared>> -> memref<125x128xf32, #tpu.memory_space<vmem_shared>>
      tpu.wait_dma2 semaphore(%run_scoped3A : memref<!tpu.dma_semaphore, #tpu.memory_space<semaphore_mem>>) src(%arg12 : memref<125x128xf32, #tpu.memory_space<vmem>>) dst(%dma_wait3A_92 : memref<125x128xf32, #tpu.memory_space<vmem_shared>>)
      tpu.yield
    }) : () -> ()
    %mul3A_15 = arith.constant 625 : i32
    %mul3A_16 = arith.muli %arg1, %mul3A_15 : i32
    %add3A_17 = arith.constant 125 : i32
    %add3A_18 = arith.addi %mul3A_16, %add3A_17 : i32
    "tpu.region"() ({
      %run_scoped3A = tpu.sem_alloc : memref<!tpu.dma_semaphore, #tpu.memory_space<semaphore_mem>>
      %dma_start3A_85 = arith.constant 0 : i32
      %dma_start3A_86 = tpu.memref_slice %arg14[%add3A_18, %dma_start3A_85] : memref<10000x128xf32, #tpu.memory_space<vmem_shared>> -> memref<125x128xf32, #tpu.memory_space<vmem_shared>>
      %dma_start3A_87 = arith.constant 0 : i32
      %dma_start3A_88 = tpu.memref_slice %arg14[%add3A_18, %dma_start3A_87] : memref<10000x128xf32, #tpu.memory_space<vmem_shared>> -> memref<125x128xf32, #tpu.memory_space<vmem_shared>>
      tpu.enqueue_dma source(%arg12 : memref<125x128xf32, #tpu.memory_space<vmem>>) target(%dma_start3A_88 : memref<125x128xf32, #tpu.memory_space<vmem_shared>>) target_semaphore(%run_scoped3A : memref<!tpu.dma_semaphore, #tpu.memory_space<semaphore_mem>>)
      %dma_wait3A_89 = arith.constant 0 : i32
      %dma_wait3A_90 = tpu.memref_slice %arg14[%add3A_18, %dma_wait3A_89] : memref<10000x128xf32, #tpu.memory_space<vmem_shared>> -> memref<125x128xf32, #tpu.memory_space<vmem_shared>>
      %dma_wait3A_91 = arith.constant 0 : i32
      %dma_wait3A_92 = tpu.memref_slice %arg14[%add3A_18, %dma_wait3A_91] : memref<10000x128xf32, #tpu.memory_space<vmem_shared>> -> memref<125x128xf32, #tpu.memory_space<vmem_shared>>
      tpu.wait_dma2 semaphore(%run_scoped3A : memref<!tpu.dma_semaphore, #tpu.memory_space<semaphore_mem>>) src(%arg12 : memref<125x128xf32, #tpu.memory_space<vmem>>) dst(%dma_wait3A_92 : memref<125x128xf32, #tpu.memory_space<vmem_shared>>)
      tpu.yield
    }) : () -> ()
    %mul3A_19 = arith.constant 625 : i32
    %mul3A_20 = arith.muli %arg1, %mul3A_19 : i32
    %add3A_21 = arith.constant 250 : i32
    %add3A_22 = arith.addi %mul3A_20, %add3A_21 : i32
    "tpu.region"() ({
      %run_scoped3A = tpu.sem_alloc : memref<!tpu.dma_semaphore, #tpu.memory_space<semaphore_mem>>
      %dma_start3A_85 = arith.constant 0 : i32
      %dma_start3A_86 = tpu.memref_slice %arg14[%add3A_22, %dma_start3A_85] : memref<10000x128xf32, #tpu.memory_space<vmem_shared>> -> memref<125x128xf32, #tpu.memory_space<vmem_shared>>
      %dma_start3A_87 = arith.constant 0 : i32
      %dma_start3A_88 = tpu.memref_slice %arg14[%add3A_22, %dma_start3A_87] : memref<10000x128xf32, #tpu.memory_space<vmem_shared>> -> memref<125x128xf32, #tpu.memory_space<vmem_shared>>
      tpu.enqueue_dma source(%arg12 : memref<125x128xf32, #tpu.memory_space<vmem>>) target(%dma_start3A_88 : memref<125x128xf32, #tpu.memory_space<vmem_shared>>) target_semaphore(%run_scoped3A : memref<!tpu.dma_semaphore, #tpu.memory_space<semaphore_mem>>)
      %dma_wait3A_89 = arith.constant 0 : i32
      %dma_wait3A_90 = tpu.memref_slice %arg14[%add3A_22, %dma_wait3A_89] : memref<10000x128xf32, #tpu.memory_space<vmem_shared>> -> memref<125x128xf32, #tpu.memory_space<vmem_shared>>
      %dma_wait3A_91 = arith.constant 0 : i32
      %dma_wait3A_92 = tpu.memref_slice %arg14[%add3A_22, %dma_wait3A_91] : memref<10000x128xf32, #tpu.memory_space<vmem_shared>> -> memref<125x128xf32, #tpu.memory_space<vmem_shared>>
      tpu.wait_dma2 semaphore(%run_scoped3A : memref<!tpu.dma_semaphore, #tpu.memory_space<semaphore_mem>>) src(%arg12 : memref<125x128xf32, #tpu.memory_space<vmem>>) dst(%dma_wait3A_92 : memref<125x128xf32, #tpu.memory_space<vmem_shared>>)
      tpu.yield
    }) : () -> ()
    %mul3A_23 = arith.constant 625 : i32
    %mul3A_24 = arith.muli %arg1, %mul3A_23 : i32
    %add3A_25 = arith.constant 375 : i32
    %add3A_26 = arith.addi %mul3A_24, %add3A_25 : i32
    "tpu.region"() ({
      %run_scoped3A = tpu.sem_alloc : memref<!tpu.dma_semaphore, #tpu.memory_space<semaphore_mem>>
      %dma_start3A_85 = arith.constant 0 : i32
      %dma_start3A_86 = tpu.memref_slice %arg14[%add3A_26, %dma_start3A_85] : memref<10000x128xf32, #tpu.memory_space<vmem_shared>> -> memref<125x128xf32, #tpu.memory_space<vmem_shared>>
      %dma_start3A_87 = arith.constant 0 : i32
      %dma_start3A_88 = tpu.memref_slice %arg14[%add3A_26, %dma_start3A_87] : memref<10000x128xf32, #tpu.memory_space<vmem_shared>> -> memref<125x128xf32, #tpu.memory_space<vmem_shared>>
      tpu.enqueue_dma source(%arg12 : memref<125x128xf32, #tpu.memory_space<vmem>>) target(%dma_start3A_88 : memref<125x128xf32, #tpu.memory_space<vmem_shared>>) target_semaphore(%run_scoped3A : memref<!tpu.dma_semaphore, #tpu.memory_space<semaphore_mem>>)
      %dma_wait3A_89 = arith.constant 0 : i32
      %dma_wait3A_90 = tpu.memref_slice %arg14[%add3A_26, %dma_wait3A_89] : memref<10000x128xf32, #tpu.memory_space<vmem_shared>> -> memref<125x128xf32, #tpu.memory_space<vmem_shared>>
      %dma_wait3A_91 = arith.constant 0 : i32
      %dma_wait3A_92 = tpu.memref_slice %arg14[%add3A_26, %dma_wait3A_91] : memref<10000x128xf32, #tpu.memory_space<vmem_shared>> -> memref<125x128xf32, #tpu.memory_space<vmem_shared>>
      tpu.wait_dma2 semaphore(%run_scoped3A : memref<!tpu.dma_semaphore, #tpu.memory_space<semaphore_mem>>) src(%arg12 : memref<125x128xf32, #tpu.memory_space<vmem>>) dst(%dma_wait3A_92 : memref<125x128xf32, #tpu.memory_space<vmem_shared>>)
      tpu.yield
    }) : () -> ()
    %mul3A_27 = arith.constant 625 : i32
    %mul3A_28 = arith.muli %arg1, %mul3A_27 : i32
    %add3A_29 = arith.constant 500 : i32
    %add3A_30 = arith.addi %mul3A_28, %add3A_29 : i32
    "tpu.region"() ({
      %run_scoped3A = tpu.sem_alloc : memref<!tpu.dma_semaphore, #tpu.memory_space<semaphore_mem>>
      %dma_start3A_85 = arith.constant 0 : i32
      %dma_start3A_86 = tpu.memref_slice %arg14[%add3A_30, %dma_start3A_85] : memref<10000x128xf32, #tpu.memory_space<vmem_shared>> -> memref<125x128xf32, #tpu.memory_space<vmem_shared>>
      %dma_start3A_87 = arith.constant 0 : i32
      %dma_start3A_88 = tpu.memref_slice %arg14[%add3A_30, %dma_start3A_87] : memref<10000x128xf32, #tpu.memory_space<vmem_shared>> -> memref<125x128xf32, #tpu.memory_space<vmem_shared>>
      tpu.enqueue_dma source(%arg12 : memref<125x128xf32, #tpu.memory_space<vmem>>) target(%dma_start3A_88 : memref<125x128xf32, #tpu.memory_space<vmem_shared>>) target_semaphore(%run_scoped3A : memref<!tpu.dma_semaphore, #tpu.memory_space<semaphore_mem>>)
      %dma_wait3A_89 = arith.constant 0 : i32
      %dma_wait3A_90 = tpu.memref_slice %arg14[%add3A_30, %dma_wait3A_89] : memref<10000x128xf32, #tpu.memory_space<vmem_shared>> -> memref<125x128xf32, #tpu.memory_space<vmem_shared>>
      %dma_wait3A_91 = arith.constant 0 : i32
      %dma_wait3A_92 = tpu.memref_slice %arg14[%add3A_30, %dma_wait3A_91] : memref<10000x128xf32, #tpu.memory_space<vmem_shared>> -> memref<125x128xf32, #tpu.memory_space<vmem_shared>>
      tpu.wait_dma2 semaphore(%run_scoped3A : memref<!tpu.dma_semaphore, #tpu.memory_space<semaphore_mem>>) src(%arg12 : memref<125x128xf32, #tpu.memory_space<vmem>>) dst(%dma_wait3A_92 : memref<125x128xf32, #tpu.memory_space<vmem_shared>>)
      tpu.yield
    }) : () -> ()
    %barrier3A = arith.constant 0 : index
    tpu.barrier barrier_id(%barrier3A)
    "tpu.region"() ({
      %run_scoped3A = tpu.sem_alloc : memref<!tpu.dma_semaphore, #tpu.memory_space<semaphore_mem>>
      %dma_start3A_85 = arith.constant 0 : i32
      %dma_start3A_86 = arith.constant 0 : i32
      %dma_start3A_87 = tpu.memref_slice %arg3[%add3A, %dma_start3A_85, %dma_start3A_86] : memref<32x80x125xi32, #tpu.memory_space<hbm>> -> memref<1x80x125xi32, #tpu.memory_space<hbm>>
      %dma_start3A_88 = tpu.memref_squeeze %dma_start3A_87 : memref<1x80x125xi32, #tpu.memory_space<hbm>> -> memref<80x125xi32, #tpu.memory_space<hbm>>
      %dma_start3A_89 = arith.constant 0 : i32
      %dma_start3A_90 = arith.constant 0 : i32
      %dma_start3A_91 = tpu.memref_slice %arg3[%add3A, %dma_start3A_89, %dma_start3A_90] : memref<32x80x125xi32, #tpu.memory_space<hbm>> -> memref<1x80x125xi32, #tpu.memory_space<hbm>>
      %dma_start3A_92 = tpu.memref_squeeze %dma_start3A_91 : memref<1x80x125xi32, #tpu.memory_space<hbm>> -> memref<80x125xi32, #tpu.memory_space<hbm>>
      tpu.enqueue_dma source(%dma_start3A_92 : memref<80x125xi32, #tpu.memory_space<hbm>>) target(%arg7 : memref<80x125xi32, #tpu.memory_space<vmem>>) target_semaphore(%run_scoped3A : memref<!tpu.dma_semaphore, #tpu.memory_space<semaphore_mem>>)
      %dma_wait3A_93 = arith.constant 0 : i32
      %dma_wait3A_94 = arith.constant 0 : i32
      %dma_wait3A_95 = tpu.memref_slice %arg3[%add3A, %dma_wait3A_93, %dma_wait3A_94] : memref<32x80x125xi32, #tpu.memory_space<hbm>> -> memref<1x80x125xi32, #tpu.memory_space<hbm>>
      %dma_wait3A_96 = tpu.memref_squeeze %dma_wait3A_95 : memref<1x80x125xi32, #tpu.memory_space<hbm>> -> memref<80x125xi32, #tpu.memory_space<hbm>>
      %dma_wait3A_97 = arith.constant 0 : i32
      %dma_wait3A_98 = arith.constant 0 : i32
      %dma_wait3A_99 = tpu.memref_slice %arg3[%add3A, %dma_wait3A_97, %dma_wait3A_98] : memref<32x80x125xi32, #tpu.memory_space<hbm>> -> memref<1x80x125xi32, #tpu.memory_space<hbm>>
      %dma_wait3A_100 = tpu.memref_squeeze %dma_wait3A_99 : memref<1x80x125xi32, #tpu.memory_space<hbm>> -> memref<80x125xi32, #tpu.memory_space<hbm>>
      tpu.wait_dma2 semaphore(%run_scoped3A : memref<!tpu.dma_semaphore, #tpu.memory_space<semaphore_mem>>) src(%dma_wait3A_100 : memref<80x125xi32, #tpu.memory_space<hbm>>) dst(%arg7 : memref<80x125xi32, #tpu.memory_space<vmem>>)
      tpu.yield
    }) : () -> ()
    %dma_start3A = arith.constant 0 : i32
    %dma_start3A_31 = arith.constant 0 : i32
    %dma_start3A_32 = tpu.memref_slice %arg7[%dma_start3A, %dma_start3A_31] : memref<80x125xi32, #tpu.memory_space<vmem>> -> memref<1x125xi32, #tpu.memory_space<vmem>>
    %dma_start3A_33 = tpu.memref_squeeze %dma_start3A_32 : memref<1x125xi32, #tpu.memory_space<vmem>> -> memref<125xi32, #tpu.memory_space<vmem>>
    %dma_start3A_34 = arith.constant 0 : i32
    %dma_start3A_35 = arith.constant 0 : i32
    %dma_start3A_36 = tpu.memref_slice %arg2[%dma_start3A_34, %dma_start3A_35] : memref<10000x128xf32, #tpu.memory_space<hbm>> -> memref<10000x128xf32, #tpu.memory_space<hbm>>
    tpu.enqueue_indirect_dma source(%dma_start3A_36 : memref<10000x128xf32, #tpu.memory_space<hbm>>) target(%arg12 : memref<125x128xf32, #tpu.memory_space<vmem>>) offsets(%dma_start3A_33 : memref<125xi32, #tpu.memory_space<vmem>>) semaphore(%arg15 : memref<!tpu.dma_semaphore, #tpu.memory_space<semaphore_mem>>)
    %dma_start3A_37 = arith.constant 0 : i32
    %dma_start3A_38 = arith.constant 0 : i32
    %dma_start3A_39 = tpu.memref_slice %arg4[%add3A, %dma_start3A_37, %dma_start3A_38] : memref<32x80x125xi32, #tpu.memory_space<hbm>> -> memref<1x1x125xi32, #tpu.memory_space<hbm>>
    %dma_start3A_40 = tpu.memref_squeeze %dma_start3A_39 : memref<1x1x125xi32, #tpu.memory_space<hbm>> -> memref<125xi32, #tpu.memory_space<hbm>>
    %dma_start3A_41 = arith.constant 0 : i32
    %dma_start3A_42 = tpu.memref_slice %arg4[%add3A, %dma_start3A_37, %dma_start3A_41] : memref<32x80x125xi32, #tpu.memory_space<hbm>> -> memref<1x1x125xi32, #tpu.memory_space<hbm>>
    %dma_start3A_43 = tpu.memref_squeeze %dma_start3A_42 : memref<1x1x125xi32, #tpu.memory_space<hbm>> -> memref<125xi32, #tpu.memory_space<hbm>>
    tpu.enqueue_dma source(%dma_start3A_43 : memref<125xi32, #tpu.memory_space<hbm>>) target(%arg8 : memref<125xi32, #tpu.memory_space<vmem>>) target_semaphore(%arg15 : memref<!tpu.dma_semaphore, #tpu.memory_space<semaphore_mem>>)
    %dma_start3A_44 = arith.constant 0 : i32
    %dma_start3A_45 = arith.constant 0 : i32
    %dma_start3A_46 = tpu.memref_slice %arg5[%add3A, %dma_start3A_44, %dma_start3A_45] : memref<32x80x2000xf32, #tpu.memory_space<hbm>> -> memref<1x1x2000xf32, #tpu.memory_space<hbm>>
    %dma_start3A_47 = tpu.memref_squeeze %dma_start3A_46 : memref<1x1x2000xf32, #tpu.memory_space<hbm>> -> memref<2000xf32, #tpu.memory_space<hbm>>
    %dma_start3A_48 = arith.constant 0 : i32
    %dma_start3A_49 = tpu.memref_slice %arg5[%add3A, %dma_start3A_44, %dma_start3A_48] : memref<32x80x2000xf32, #tpu.memory_space<hbm>> -> memref<1x1x2000xf32, #tpu.memory_space<hbm>>
    %dma_start3A_50 = tpu.memref_squeeze %dma_start3A_49 : memref<1x1x2000xf32, #tpu.memory_space<hbm>> -> memref<2000xf32, #tpu.memory_space<hbm>>
    tpu.enqueue_dma source(%dma_start3A_50 : memref<2000xf32, #tpu.memory_space<hbm>>) target(%arg10 : memref<2000xf32, #tpu.memory_space<vmem>>) target_semaphore(%arg15 : memref<!tpu.dma_semaphore, #tpu.memory_space<semaphore_mem>>)
    %dma_wait3A = arith.constant 0 : i32
    %dma_wait3A_51 = arith.constant 0 : i32
    %dma_wait3A_52 = tpu.memref_slice %arg7[%dma_wait3A, %dma_wait3A_51] : memref<80x125xi32, #tpu.memory_space<vmem>> -> memref<1x125xi32, #tpu.memory_space<vmem>>
    %dma_wait3A_53 = tpu.memref_squeeze %dma_wait3A_52 : memref<1x125xi32, #tpu.memory_space<vmem>> -> memref<125xi32, #tpu.memory_space<vmem>>
    %dma_wait3A_54 = arith.constant 0 : i32
    %dma_wait3A_55 = arith.constant 0 : i32
    %dma_wait3A_56 = tpu.memref_slice %arg2[%dma_wait3A_54, %dma_wait3A_55] : memref<10000x128xf32, #tpu.memory_space<hbm>> -> memref<10000x128xf32, #tpu.memory_space<hbm>>
    tpu.wait_indirect_dma semaphore(%arg15 : memref<!tpu.dma_semaphore, #tpu.memory_space<semaphore_mem>>) src(%dma_wait3A_56 : memref<10000x128xf32, #tpu.memory_space<hbm>>) dst(%arg12 : memref<125x128xf32, #tpu.memory_space<vmem>>)
    %dma_wait3A_57 = arith.constant 0 : i32
    %dma_wait3A_58 = arith.constant 0 : i32
    %dma_wait3A_59 = tpu.memref_slice %arg4[%add3A, %dma_wait3A_57, %dma_wait3A_58] : memref<32x80x125xi32, #tpu.memory_space<hbm>> -> memref<1x1x125xi32, #tpu.memory_space<hbm>>
    %dma_wait3A_60 = tpu.memref_squeeze %dma_wait3A_59 : memref<1x1x125xi32, #tpu.memory_space<hbm>> -> memref<125xi32, #tpu.memory_space<hbm>>
    %dma_wait3A_61 = arith.constant 0 : i32
    %dma_wait3A_62 = tpu.memref_slice %arg4[%add3A, %dma_wait3A_57, %dma_wait3A_61] : memref<32x80x125xi32, #tpu.memory_space<hbm>> -> memref<1x1x125xi32, #tpu.memory_space<hbm>>
    %dma_wait3A_63 = tpu.memref_squeeze %dma_wait3A_62 : memref<1x1x125xi32, #tpu.memory_space<hbm>> -> memref<125xi32, #tpu.memory_space<hbm>>
    tpu.wait_dma2 semaphore(%arg15 : memref<!tpu.dma_semaphore, #tpu.memory_space<semaphore_mem>>) src(%dma_wait3A_63 : memref<125xi32, #tpu.memory_space<hbm>>) dst(%arg8 : memref<125xi32, #tpu.memory_space<vmem>>)
    %dma_wait3A_64 = arith.constant 0 : i32
    %dma_wait3A_65 = arith.constant 0 : i32
    %dma_wait3A_66 = tpu.memref_slice %arg5[%add3A, %dma_wait3A_64, %dma_wait3A_65] : memref<32x80x2000xf32, #tpu.memory_space<hbm>> -> memref<1x1x2000xf32, #tpu.memory_space<hbm>>
    %dma_wait3A_67 = tpu.memref_squeeze %dma_wait3A_66 : memref<1x1x2000xf32, #tpu.memory_space<hbm>> -> memref<2000xf32, #tpu.memory_space<hbm>>
    %dma_wait3A_68 = arith.constant 0 : i32
    %dma_wait3A_69 = tpu.memref_slice %arg5[%add3A, %dma_wait3A_64, %dma_wait3A_68] : memref<32x80x2000xf32, #tpu.memory_space<hbm>> -> memref<1x1x2000xf32, #tpu.memory_space<hbm>>
    %dma_wait3A_70 = tpu.memref_squeeze %dma_wait3A_69 : memref<1x1x2000xf32, #tpu.memory_space<hbm>> -> memref<2000xf32, #tpu.memory_space<hbm>>
    tpu.wait_dma2 semaphore(%arg15 : memref<!tpu.dma_semaphore, #tpu.memory_space<semaphore_mem>>) src(%dma_wait3A_70 : memref<2000xf32, #tpu.memory_space<hbm>>) dst(%arg10 : memref<2000xf32, #tpu.memory_space<vmem>>)
    %while3A_71 = arith.constant 0 : i32
    %while3A_72 = arith.constant 0 : i32
    %while3A_73 = arith.constant 40 : i32
    %while3A_74 = arith.subi %while3A_73, %while3A_72 : i32
    %while3A_75 = arith.addi %while3A_72, %while3A_74 : i32
    %while3A_76 = arith.constant 1 : i32
    %while3A_77 = arith.divsi %while3A_74, %while3A_76 : i32
    %while3A_78 = arith.muli %while3A_77, %while3A_76 : i32
    %while3A_79 = arith.addi %while3A_72, %while3A_78 : i32
    %while3A_80 = arith.constant 1 : i32
    scf.for %while3A_85 = %while3A_72 to %while3A_79 step %while3A_80  : i32 {
      %mul3A_86 = arith.constant 2 : i32
      %mul3A_87 = arith.muli %mul3A_86, %while3A_85 : i32
      %add3A_88 = arith.constant 1 : i32
      %add3A_89 = arith.addi %mul3A_87, %add3A_88 : i32
      %dma_start3A_90 = arith.constant 0 : i32
      %dma_start3A_91 = tpu.memref_slice %arg7[%add3A_89, %dma_start3A_90] : memref<80x125xi32, #tpu.memory_space<vmem>> -> memref<1x125xi32, #tpu.memory_space<vmem>>
      %dma_start3A_92 = tpu.memref_squeeze %dma_start3A_91 : memref<1x125xi32, #tpu.memory_space<vmem>> -> memref<125xi32, #tpu.memory_space<vmem>>
      %dma_start3A_93 = arith.constant 0 : i32
      %dma_start3A_94 = arith.constant 0 : i32
      %dma_start3A_95 = tpu.memref_slice %arg2[%dma_start3A_93, %dma_start3A_94] : memref<10000x128xf32, #tpu.memory_space<hbm>> -> memref<10000x128xf32, #tpu.memory_space<hbm>>
      tpu.enqueue_indirect_dma source(%dma_start3A_95 : memref<10000x128xf32, #tpu.memory_space<hbm>>) target(%arg13 : memref<125x128xf32, #tpu.memory_space<vmem>>) offsets(%dma_start3A_92 : memref<125xi32, #tpu.memory_space<vmem>>) semaphore(%arg16 : memref<!tpu.dma_semaphore, #tpu.memory_space<semaphore_mem>>)
      %dma_start3A_96 = arith.constant 0 : i32
      %dma_start3A_97 = tpu.memref_slice %arg4[%add3A, %add3A_89, %dma_start3A_96] : memref<32x80x125xi32, #tpu.memory_space<hbm>> -> memref<1x1x125xi32, #tpu.memory_space<hbm>>
      %dma_start3A_98 = tpu.memref_squeeze %dma_start3A_97 : memref<1x1x125xi32, #tpu.memory_space<hbm>> -> memref<125xi32, #tpu.memory_space<hbm>>
      %dma_start3A_99 = arith.constant 0 : i32
      %dma_start3A_100 = tpu.memref_slice %arg4[%add3A, %add3A_89, %dma_start3A_99] : memref<32x80x125xi32, #tpu.memory_space<hbm>> -> memref<1x1x125xi32, #tpu.memory_space<hbm>>
      %dma_start3A_101 = tpu.memref_squeeze %dma_start3A_100 : memref<1x1x125xi32, #tpu.memory_space<hbm>> -> memref<125xi32, #tpu.memory_space<hbm>>
      tpu.enqueue_dma source(%dma_start3A_101 : memref<125xi32, #tpu.memory_space<hbm>>) target(%arg9 : memref<125xi32, #tpu.memory_space<vmem>>) target_semaphore(%arg16 : memref<!tpu.dma_semaphore, #tpu.memory_space<semaphore_mem>>)
      %dma_start3A_102 = arith.constant 0 : i32
      %dma_start3A_103 = tpu.memref_slice %arg5[%add3A, %add3A_89, %dma_start3A_102] : memref<32x80x2000xf32, #tpu.memory_space<hbm>> -> memref<1x1x2000xf32, #tpu.memory_space<hbm>>
      %dma_start3A_104 = tpu.memref_squeeze %dma_start3A_103 : memref<1x1x2000xf32, #tpu.memory_space<hbm>> -> memref<2000xf32, #tpu.memory_space<hbm>>
      %dma_start3A_105 = arith.constant 0 : i32
      %dma_start3A_106 = tpu.memref_slice %arg5[%add3A, %add3A_89, %dma_start3A_105] : memref<32x80x2000xf32, #tpu.memory_space<hbm>> -> memref<1x1x2000xf32, #tpu.memory_space<hbm>>
      %dma_start3A_107 = tpu.memref_squeeze %dma_start3A_106 : memref<1x1x2000xf32, #tpu.memory_space<hbm>> -> memref<2000xf32, #tpu.memory_space<hbm>>
      tpu.enqueue_dma source(%dma_start3A_107 : memref<2000xf32, #tpu.memory_space<hbm>>) target(%arg11 : memref<2000xf32, #tpu.memory_space<vmem>>) target_semaphore(%arg16 : memref<!tpu.dma_semaphore, #tpu.memory_space<semaphore_mem>>)
      %while3A_108 = arith.constant 0 : i32
      %while3A_109 = arith.constant 0 : i32
      %while3A_110 = arith.constant 125 : i32
      %while3A_111 = arith.subi %while3A_110, %while3A_109 : i32
      %while3A_112 = arith.addi %while3A_109, %while3A_111 : i32
      %while3A_113 = arith.constant 1 : i32
      %while3A_114 = arith.divsi %while3A_111, %while3A_113 : i32
      %while3A_115 = arith.muli %while3A_114, %while3A_113 : i32
      %while3A_116 = arith.addi %while3A_109, %while3A_115 : i32
      %while3A_117 = arith.constant 1 : i32
      scf.for %while3A_155 = %while3A_109 to %while3A_116 step %while3A_117  : i32 {
        %mul3A_156 = arith.constant 16 : i32
        %mul3A_157 = arith.muli %while3A_155, %mul3A_156 : i32
        %multiple_of3A = tpu.assume_multiple %mul3A_157, 16 : i32
        %get3A = arith.index_cast %multiple_of3A : i32 to index
        %get3A_158 = tpu.vector_load %arg10[%get3A] {strides = array<i32>} : memref<2000xf32, #tpu.memory_space<vmem>>, vector<16xf32>,
        %get3A_159 = vector.shape_cast %get3A_158 : vector<16xf32> to vector<16xf32>
        %get3A_160 = arith.index_cast %while3A_155 : i32 to index
        %get3A_161 = arith.constant 0 : index
        %get3A_162 = tpu.vector_load %arg12[%get3A_160, %get3A_161] {strides = array<i32>} : memref<125x128xf32, #tpu.memory_space<vmem>>, vector<1x16xf32>,
        %get3A_163 = vector.shape_cast %get3A_162 : vector<1x16xf32> to vector<16xf32>
        %mul3A_164 = arith.mulf %get3A_163, %get3A_159 : vector<16xf32>
        %swap3A = arith.index_cast %while3A_155 : i32 to index
        %swap3A_165 = arith.constant 0 : index
        %swap3A_166 = tpu.vector_load %arg12[%swap3A, %swap3A_165] {strides = array<i32>} : memref<125x128xf32, #tpu.memory_space<vmem>>, vector<1x16xf32>,
        %swap3A_167 = vector.shape_cast %swap3A_166 : vector<1x16xf32> to vector<16xf32>
        %swap3A_168 = vector.shape_cast %mul3A_164 : vector<16xf32> to vector<1x16xf32>
        tpu.vector_store %arg12[%swap3A, %swap3A_165], %swap3A_168 {strides = array<i32>} : memref<125x128xf32, #tpu.memory_space<vmem>>, vector<1x16xf32>,
        %get3A_169 = arith.index_cast %while3A_155 : i32 to index
        %get3A_170 = arith.constant 16 : index
        %get3A_171 = tpu.vector_load %arg12[%get3A_169, %get3A_170] {strides = array<i32>} : memref<125x128xf32, #tpu.memory_space<vmem>>, vector<1x16xf32>,
        %get3A_172 = vector.shape_cast %get3A_171 : vector<1x16xf32> to vector<16xf32>
        %mul3A_173 = arith.mulf %get3A_172, %get3A_159 : vector<16xf32>
        %swap3A_174 = arith.index_cast %while3A_155 : i32 to index
        %swap3A_175 = arith.constant 16 : index
        %swap3A_176 = tpu.vector_load %arg12[%swap3A_174, %swap3A_175] {strides = array<i32>} : memref<125x128xf32, #tpu.memory_space<vmem>>, vector<1x16xf32>,
        %swap3A_177 = vector.shape_cast %swap3A_176 : vector<1x16xf32> to vector<16xf32>
        %swap3A_178 = vector.shape_cast %mul3A_173 : vector<16xf32> to vector<1x16xf32>
        tpu.vector_store %arg12[%swap3A_174, %swap3A_175], %swap3A_178 {strides = array<i32>} : memref<125x128xf32, #tpu.memory_space<vmem>>, vector<1x16xf32>,
        %get3A_179 = arith.index_cast %while3A_155 : i32 to index
        %get3A_180 = arith.constant 32 : index
        %get3A_181 = tpu.vector_load %arg12[%get3A_179, %get3A_180] {strides = array<i32>} : memref<125x128xf32, #tpu.memory_space<vmem>>, vector<1x16xf32>,
        %get3A_182 = vector.shape_cast %get3A_181 : vector<1x16xf32> to vector<16xf32>
        %mul3A_183 = arith.mulf %get3A_182, %get3A_159 : vector<16xf32>
        %swap3A_184 = arith.index_cast %while3A_155 : i32 to index
        %swap3A_185 = arith.constant 32 : index
        %swap3A_186 = tpu.vector_load %arg12[%swap3A_184, %swap3A_185] {strides = array<i32>} : memref<125x128xf32, #tpu.memory_space<vmem>>, vector<1x16xf32>,
        %swap3A_187 = vector.shape_cast %swap3A_186 : vector<1x16xf32> to vector<16xf32>
        %swap3A_188 = vector.shape_cast %mul3A_183 : vector<16xf32> to vector<1x16xf32>
        tpu.vector_store %arg12[%swap3A_184, %swap3A_185], %swap3A_188 {strides = array<i32>} : memref<125x128xf32, #tpu.memory_space<vmem>>, vector<1x16xf32>,
        %get3A_189 = arith.index_cast %while3A_155 : i32 to index
        %get3A_190 = arith.constant 48 : index
        %get3A_191 = tpu.vector_load %arg12[%get3A_189, %get3A_190] {strides = array<i32>} : memref<125x128xf32, #tpu.memory_space<vmem>>, vector<1x16xf32>,
        %get3A_192 = vector.shape_cast %get3A_191 : vector<1x16xf32> to vector<16xf32>
        %mul3A_193 = arith.mulf %get3A_192, %get3A_159 : vector<16xf32>
        %swap3A_194 = arith.index_cast %while3A_155 : i32 to index
        %swap3A_195 = arith.constant 48 : index
        %swap3A_196 = tpu.vector_load %arg12[%swap3A_194, %swap3A_195] {strides = array<i32>} : memref<125x128xf32, #tpu.memory_space<vmem>>, vector<1x16xf32>,
        %swap3A_197 = vector.shape_cast %swap3A_196 : vector<1x16xf32> to vector<16xf32>
        %swap3A_198 = vector.shape_cast %mul3A_193 : vector<16xf32> to vector<1x16xf32>
        tpu.vector_store %arg12[%swap3A_194, %swap3A_195], %swap3A_198 {strides = array<i32>} : memref<125x128xf32, #tpu.memory_space<vmem>>, vector<1x16xf32>,
        %get3A_199 = arith.index_cast %while3A_155 : i32 to index
        %get3A_200 = arith.constant 64 : index
        %get3A_201 = tpu.vector_load %arg12[%get3A_199, %get3A_200] {strides = array<i32>} : memref<125x128xf32, #tpu.memory_space<vmem>>, vector<1x16xf32>,
        %get3A_202 = vector.shape_cast %get3A_201 : vector<1x16xf32> to vector<16xf32>
        %mul3A_203 = arith.mulf %get3A_202, %get3A_159 : vector<16xf32>
        %swap3A_204 = arith.index_cast %while3A_155 : i32 to index
        %swap3A_205 = arith.constant 64 : index
        %swap3A_206 = tpu.vector_load %arg12[%swap3A_204, %swap3A_205] {strides = array<i32>} : memref<125x128xf32, #tpu.memory_space<vmem>>, vector<1x16xf32>,
        %swap3A_207 = vector.shape_cast %swap3A_206 : vector<1x16xf32> to vector<16xf32>
        %swap3A_208 = vector.shape_cast %mul3A_203 : vector<16xf32> to vector<1x16xf32>
        tpu.vector_store %arg12[%swap3A_204, %swap3A_205], %swap3A_208 {strides = array<i32>} : memref<125x128xf32, #tpu.memory_space<vmem>>, vector<1x16xf32>,
        %get3A_209 = arith.index_cast %while3A_155 : i32 to index
        %get3A_210 = arith.constant 80 : index
        %get3A_211 = tpu.vector_load %arg12[%get3A_209, %get3A_210] {strides = array<i32>} : memref<125x128xf32, #tpu.memory_space<vmem>>, vector<1x16xf32>,
        %get3A_212 = vector.shape_cast %get3A_211 : vector<1x16xf32> to vector<16xf32>
        %mul3A_213 = arith.mulf %get3A_212, %get3A_159 : vector<16xf32>
        %swap3A_214 = arith.index_cast %while3A_155 : i32 to index
        %swap3A_215 = arith.constant 80 : index
        %swap3A_216 = tpu.vector_load %arg12[%swap3A_214, %swap3A_215] {strides = array<i32>} : memref<125x128xf32, #tpu.memory_space<vmem>>, vector<1x16xf32>,
        %swap3A_217 = vector.shape_cast %swap3A_216 : vector<1x16xf32> to vector<16xf32>
        %swap3A_218 = vector.shape_cast %mul3A_213 : vector<16xf32> to vector<1x16xf32>
        tpu.vector_store %arg12[%swap3A_214, %swap3A_215], %swap3A_218 {strides = array<i32>} : memref<125x128xf32, #tpu.memory_space<vmem>>, vector<1x16xf32>,
        %get3A_219 = arith.index_cast %while3A_155 : i32 to index
        %get3A_220 = arith.constant 96 : index
        %get3A_221 = tpu.vector_load %arg12[%get3A_219, %get3A_220] {strides = array<i32>} : memref<125x128xf32, #tpu.memory_space<vmem>>, vector<1x16xf32>,
        %get3A_222 = vector.shape_cast %get3A_221 : vector<1x16xf32> to vector<16xf32>
        %mul3A_223 = arith.mulf %get3A_222, %get3A_159 : vector<16xf32>
        %swap3A_224 = arith.index_cast %while3A_155 : i32 to index
        %swap3A_225 = arith.constant 96 : index
        %swap3A_226 = tpu.vector_load %arg12[%swap3A_224, %swap3A_225] {strides = array<i32>} : memref<125x128xf32, #tpu.memory_space<vmem>>, vector<1x16xf32>,
        %swap3A_227 = vector.shape_cast %swap3A_226 : vector<1x16xf32> to vector<16xf32>
        %swap3A_228 = vector.shape_cast %mul3A_223 : vector<16xf32> to vector<1x16xf32>
        tpu.vector_store %arg12[%swap3A_224, %swap3A_225], %swap3A_228 {strides = array<i32>} : memref<125x128xf32, #tpu.memory_space<vmem>>, vector<1x16xf32>,
        %get3A_229 = arith.index_cast %while3A_155 : i32 to index
        %get3A_230 = arith.constant 112 : index
        %get3A_231 = tpu.vector_load %arg12[%get3A_229, %get3A_230] {strides = array<i32>} : memref<125x128xf32, #tpu.memory_space<vmem>>, vector<1x16xf32>,
        %get3A_232 = vector.shape_cast %get3A_231 : vector<1x16xf32> to vector<16xf32>
        %mul3A_233 = arith.mulf %get3A_232, %get3A_159 : vector<16xf32>
        %swap3A_234 = arith.index_cast %while3A_155 : i32 to index
        %swap3A_235 = arith.constant 112 : index
        %swap3A_236 = tpu.vector_load %arg12[%swap3A_234, %swap3A_235] {strides = array<i32>} : memref<125x128xf32, #tpu.memory_space<vmem>>, vector<1x16xf32>,
        %swap3A_237 = vector.shape_cast %swap3A_236 : vector<1x16xf32> to vector<16xf32>
        %swap3A_238 = vector.shape_cast %mul3A_233 : vector<16xf32> to vector<1x16xf32>
        tpu.vector_store %arg12[%swap3A_234, %swap3A_235], %swap3A_238 {strides = array<i32>} : memref<125x128xf32, #tpu.memory_space<vmem>>, vector<1x16xf32>,
      }
      %while3A_118 = arith.constant 1 : i32
      scf.for %while3A_155 = %while3A_116 to %while3A_112 step %while3A_118  : i32 {
        %mul3A_156 = arith.constant 16 : i32
        %mul3A_157 = arith.muli %while3A_155, %mul3A_156 : i32
        %multiple_of3A = tpu.assume_multiple %mul3A_157, 16 : i32
        %get3A = arith.index_cast %multiple_of3A : i32 to index
        %get3A_158 = tpu.vector_load %arg10[%get3A] {strides = array<i32>} : memref<2000xf32, #tpu.memory_space<vmem>>, vector<16xf32>,
        %get3A_159 = vector.shape_cast %get3A_158 : vector<16xf32> to vector<16xf32>
        %get3A_160 = arith.index_cast %while3A_155 : i32 to index
        %get3A_161 = arith.constant 0 : index
        %get3A_162 = tpu.vector_load %arg12[%get3A_160, %get3A_161] {strides = array<i32>} : memref<125x128xf32, #tpu.memory_space<vmem>>, vector<1x16xf32>,
        %get3A_163 = vector.shape_cast %get3A_162 : vector<1x16xf32> to vector<16xf32>
        %mul3A_164 = arith.mulf %get3A_163, %get3A_159 : vector<16xf32>
        %swap3A = arith.index_cast %while3A_155 : i32 to index
        %swap3A_165 = arith.constant 0 : index
        %swap3A_166 = tpu.vector_load %arg12[%swap3A, %swap3A_165] {strides = array<i32>} : memref<125x128xf32, #tpu.memory_space<vmem>>, vector<1x16xf32>,
        %swap3A_167 = vector.shape_cast %swap3A_166 : vector<1x16xf32> to vector<16xf32>
        %swap3A_168 = vector.shape_cast %mul3A_164 : vector<16xf32> to vector<1x16xf32>
        tpu.vector_store %arg12[%swap3A, %swap3A_165], %swap3A_168 {strides = array<i32>} : memref<125x128xf32, #tpu.memory_space<vmem>>, vector<1x16xf32>,
        %get3A_169 = arith.index_cast %while3A_155 : i32 to index
        %get3A_170 = arith.constant 16 : index
        %get3A_171 = tpu.vector_load %arg12[%get3A_169, %get3A_170] {strides = array<i32>} : memref<125x128xf32, #tpu.memory_space<vmem>>, vector<1x16xf32>,
        %get3A_172 = vector.shape_cast %get3A_171 : vector<1x16xf32> to vector<16xf32>
        %mul3A_173 = arith.mulf %get3A_172, %get3A_159 : vector<16xf32>
        %swap3A_174 = arith.index_cast %while3A_155 : i32 to index
        %swap3A_175 = arith.constant 16 : index
        %swap3A_176 = tpu.vector_load %arg12[%swap3A_174, %swap3A_175] {strides = array<i32>} : memref<125x128xf32, #tpu.memory_space<vmem>>, vector<1x16xf32>,
        %swap3A_177 = vector.shape_cast %swap3A_176 : vector<1x16xf32> to vector<16xf32>
        %swap3A_178 = vector.shape_cast %mul3A_173 : vector<16xf32> to vector<1x16xf32>
        tpu.vector_store %arg12[%swap3A_174, %swap3A_175], %swap3A_178 {strides = array<i32>} : memref<125x128xf32, #tpu.memory_space<vmem>>, vector<1x16xf32>,
        %get3A_179 = arith.index_cast %while3A_155 : i32 to index
        %get3A_180 = arith.constant 32 : index
        %get3A_181 = tpu.vector_load %arg12[%get3A_179, %get3A_180] {strides = array<i32>} : memref<125x128xf32, #tpu.memory_space<vmem>>, vector<1x16xf32>,
        %get3A_182 = vector.shape_cast %get3A_181 : vector<1x16xf32> to vector<16xf32>
        %mul3A_183 = arith.mulf %get3A_182, %get3A_159 : vector<16xf32>
        %swap3A_184 = arith.index_cast %while3A_155 : i32 to index
        %swap3A_185 = arith.constant 32 : index
        %swap3A_186 = tpu.vector_load %arg12[%swap3A_184, %swap3A_185] {strides = array<i32>} : memref<125x128xf32, #tpu.memory_space<vmem>>, vector<1x16xf32>,
        %swap3A_187 = vector.shape_cast %swap3A_186 : vector<1x16xf32> to vector<16xf32>
        %swap3A_188 = vector.shape_cast %mul3A_183 : vector<16xf32> to vector<1x16xf32>
        tpu.vector_store %arg12[%swap3A_184, %swap3A_185], %swap3A_188 {strides = array<i32>} : memref<125x128xf32, #tpu.memory_space<vmem>>, vector<1x16xf32>,
        %get3A_189 = arith.index_cast %while3A_155 : i32 to index
        %get3A_190 = arith.constant 48 : index
        %get3A_191 = tpu.vector_load %arg12[%get3A_189, %get3A_190] {strides = array<i32>} : memref<125x128xf32, #tpu.memory_space<vmem>>, vector<1x16xf32>,
        %get3A_192 = vector.shape_cast %get3A_191 : vector<1x16xf32> to vector<16xf32>
        %mul3A_193 = arith.mulf %get3A_192, %get3A_159 : vector<16xf32>
        %swap3A_194 = arith.index_cast %while3A_155 : i32 to index
        %swap3A_195 = arith.constant 48 : index
        %swap3A_196 = tpu.vector_load %arg12[%swap3A_194, %swap3A_195] {strides = array<i32>} : memref<125x128xf32, #tpu.memory_space<vmem>>, vector<1x16xf32>,
        %swap3A_197 = vector.shape_cast %swap3A_196 : vector<1x16xf32> to vector<16xf32>
        %swap3A_198 = vector.shape_cast %mul3A_193 : vector<16xf32> to vector<1x16xf32>
        tpu.vector_store %arg12[%swap3A_194, %swap3A_195], %swap3A_198 {strides = array<i32>} : memref<125x128xf32, #tpu.memory_space<vmem>>, vector<1x16xf32>,
        %get3A_199 = arith.index_cast %while3A_155 : i32 to index
        %get3A_200 = arith.constant 64 : index
        %get3A_201 = tpu.vector_load %arg12[%get3A_199, %get3A_200] {strides = array<i32>} : memref<125x128xf32, #tpu.memory_space<vmem>>, vector<1x16xf32>,
        %get3A_202 = vector.shape_cast %get3A_201 : vector<1x16xf32> to vector<16xf32>
        %mul3A_203 = arith.mulf %get3A_202, %get3A_159 : vector<16xf32>
        %swap3A_204 = arith.index_cast %while3A_155 : i32 to index
        %swap3A_205 = arith.constant 64 : index
        %swap3A_206 = tpu.vector_load %arg12[%swap3A_204, %swap3A_205] {strides = array<i32>} : memref<125x128xf32, #tpu.memory_space<vmem>>, vector<1x16xf32>,
        %swap3A_207 = vector.shape_cast %swap3A_206 : vector<1x16xf32> to vector<16xf32>
        %swap3A_208 = vector.shape_cast %mul3A_203 : vector<16xf32> to vector<1x16xf32>
        tpu.vector_store %arg12[%swap3A_204, %swap3A_205], %swap3A_208 {strides = array<i32>} : memref<125x128xf32, #tpu.memory_space<vmem>>, vector<1x16xf32>,
        %get3A_209 = arith.index_cast %while3A_155 : i32 to index
        %get3A_210 = arith.constant 80 : index
        %get3A_211 = tpu.vector_load %arg12[%get3A_209, %get3A_210] {strides = array<i32>} : memref<125x128xf32, #tpu.memory_space<vmem>>, vector<1x16xf32>,
        %get3A_212 = vector.shape_cast %get3A_211 : vector<1x16xf32> to vector<16xf32>
        %mul3A_213 = arith.mulf %get3A_212, %get3A_159 : vector<16xf32>
        %swap3A_214 = arith.index_cast %while3A_155 : i32 to index
        %swap3A_215 = arith.constant 80 : index
        %swap3A_216 = tpu.vector_load %arg12[%swap3A_214, %swap3A_215] {strides = array<i32>} : memref<125x128xf32, #tpu.memory_space<vmem>>, vector<1x16xf32>,
        %swap3A_217 = vector.shape_cast %swap3A_216 : vector<1x16xf32> to vector<16xf32>
        %swap3A_218 = vector.shape_cast %mul3A_213 : vector<16xf32> to vector<1x16xf32>
        tpu.vector_store %arg12[%swap3A_214, %swap3A_215], %swap3A_218 {strides = array<i32>} : memref<125x128xf32, #tpu.memory_space<vmem>>, vector<1x16xf32>,
        %get3A_219 = arith.index_cast %while3A_155 : i32 to index
        %get3A_220 = arith.constant 96 : index
        %get3A_221 = tpu.vector_load %arg12[%get3A_219, %get3A_220] {strides = array<i32>} : memref<125x128xf32, #tpu.memory_space<vmem>>, vector<1x16xf32>,
        %get3A_222 = vector.shape_cast %get3A_221 : vector<1x16xf32> to vector<16xf32>
        %mul3A_223 = arith.mulf %get3A_222, %get3A_159 : vector<16xf32>
        %swap3A_224 = arith.index_cast %while3A_155 : i32 to index
        %swap3A_225 = arith.constant 96 : index
        %swap3A_226 = tpu.vector_load %arg12[%swap3A_224, %swap3A_225] {strides = array<i32>} : memref<125x128xf32, #tpu.memory_space<vmem>>, vector<1x16xf32>,
        %swap3A_227 = vector.shape_cast %swap3A_226 : vector<1x16xf32> to vector<16xf32>
        %swap3A_228 = vector.shape_cast %mul3A_223 : vector<16xf32> to vector<1x16xf32>
        tpu.vector_store %arg12[%swap3A_224, %swap3A_225], %swap3A_228 {strides = array<i32>} : memref<125x128xf32, #tpu.memory_space<vmem>>, vector<1x16xf32>,
        %get3A_229 = arith.index_cast %while3A_155 : i32 to index
        %get3A_230 = arith.constant 112 : index
        %get3A_231 = tpu.vector_load %arg12[%get3A_229, %get3A_230] {strides = array<i32>} : memref<125x128xf32, #tpu.memory_space<vmem>>, vector<1x16xf32>,
        %get3A_232 = vector.shape_cast %get3A_231 : vector<1x16xf32> to vector<16xf32>
        %mul3A_233 = arith.mulf %get3A_232, %get3A_159 : vector<16xf32>
        %swap3A_234 = arith.index_cast %while3A_155 : i32 to index
        %swap3A_235 = arith.constant 112 : index
        %swap3A_236 = tpu.vector_load %arg12[%swap3A_234, %swap3A_235] {strides = array<i32>} : memref<125x128xf32, #tpu.memory_space<vmem>>, vector<1x16xf32>,
        %swap3A_237 = vector.shape_cast %swap3A_236 : vector<1x16xf32> to vector<16xf32>
        %swap3A_238 = vector.shape_cast %mul3A_233 : vector<16xf32> to vector<1x16xf32>
        tpu.vector_store %arg12[%swap3A_234, %swap3A_235], %swap3A_238 {strides = array<i32>} : memref<125x128xf32, #tpu.memory_space<vmem>>, vector<1x16xf32>,
      }
      %dma_wait3A_119 = arith.constant 0 : i32
      %dma_wait3A_120 = tpu.memref_slice %arg7[%add3A_89, %dma_wait3A_119] : memref<80x125xi32, #tpu.memory_space<vmem>> -> memref<1x125xi32, #tpu.memory_space<vmem>>
      %dma_wait3A_121 = tpu.memref_squeeze %dma_wait3A_120 : memref<1x125xi32, #tpu.memory_space<vmem>> -> memref<125xi32, #tpu.memory_space<vmem>>
      %dma_wait3A_122 = arith.constant 0 : i32
      %dma_wait3A_123 = arith.constant 0 : i32
      %dma_wait3A_124 = tpu.memref_slice %arg2[%dma_wait3A_122, %dma_wait3A_123] : memref<10000x128xf32, #tpu.memory_space<hbm>> -> memref<10000x128xf32, #tpu.memory_space<hbm>>
      tpu.wait_indirect_dma semaphore(%arg16 : memref<!tpu.dma_semaphore, #tpu.memory_space<semaphore_mem>>) src(%dma_wait3A_124 : memref<10000x128xf32, #tpu.memory_space<hbm>>) dst(%arg13 : memref<125x128xf32, #tpu.memory_space<vmem>>)
      %dma_wait3A_125 = arith.constant 0 : i32
      %dma_wait3A_126 = tpu.memref_slice %arg4[%add3A, %add3A_89, %dma_wait3A_125] : memref<32x80x125xi32, #tpu.memory_space<hbm>> -> memref<1x1x125xi32, #tpu.memory_space<hbm>>
      %dma_wait3A_127 = tpu.memref_squeeze %dma_wait3A_126 : memref<1x1x125xi32, #tpu.memory_space<hbm>> -> memref<125xi32, #tpu.memory_space<hbm>>
      %dma_wait3A_128 = arith.constant 0 : i32
      %dma_wait3A_129 = tpu.memref_slice %arg4[%add3A, %add3A_89, %dma_wait3A_128] : memref<32x80x125xi32, #tpu.memory_space<hbm>> -> memref<1x1x125xi32, #tpu.memory_space<hbm>>
      %dma_wait3A_130 = tpu.memref_squeeze %dma_wait3A_129 : memref<1x1x125xi32, #tpu.memory_space<hbm>> -> memref<125xi32, #tpu.memory_space<hbm>>
      tpu.wait_dma2 semaphore(%arg16 : memref<!tpu.dma_semaphore, #tpu.memory_space<semaphore_mem>>) src(%dma_wait3A_130 : memref<125xi32, #tpu.memory_space<hbm>>) dst(%arg9 : memref<125xi32, #tpu.memory_space<vmem>>)
      %dma_wait3A_131 = arith.constant 0 : i32
      %dma_wait3A_132 = tpu.memref_slice %arg5[%add3A, %add3A_89, %dma_wait3A_131] : memref<32x80x2000xf32, #tpu.memory_space<hbm>> -> memref<1x1x2000xf32, #tpu.memory_space<hbm>>
      %dma_wait3A_133 = tpu.memref_squeeze %dma_wait3A_132 : memref<1x1x2000xf32, #tpu.memory_space<hbm>> -> memref<2000xf32, #tpu.memory_space<hbm>>
      %dma_wait3A_134 = arith.constant 0 : i32
      %dma_wait3A_135 = tpu.memref_slice %arg5[%add3A, %add3A_89, %dma_wait3A_134] : memref<32x80x2000xf32, #tpu.memory_space<hbm>> -> memref<1x1x2000xf32, #tpu.memory_space<hbm>>
      %dma_wait3A_136 = tpu.memref_squeeze %dma_wait3A_135 : memref<1x1x2000xf32, #tpu.memory_space<hbm>> -> memref<2000xf32, #tpu.memory_space<hbm>>
      tpu.wait_dma2 semaphore(%arg16 : memref<!tpu.dma_semaphore, #tpu.memory_space<semaphore_mem>>) src(%dma_wait3A_136 : memref<2000xf32, #tpu.memory_space<hbm>>) dst(%arg11 : memref<2000xf32, #tpu.memory_space<vmem>>)
      "tpu.region"() ({
        %run_scoped3A = tpu.sem_alloc : memref<!tpu.dma_semaphore, #tpu.memory_space<semaphore_mem>>
        %dma_start3A_155 = arith.constant 0 : i32
        %dma_start3A_156 = arith.constant 0 : i32
        %dma_start3A_157 = tpu.memref_slice %arg14[%dma_start3A_155, %dma_start3A_156] : memref<10000x128xf32, #tpu.memory_space<vmem_shared>> -> memref<10000x128xf32, #tpu.memory_space<vmem_shared>>
        tpu.enqueue_indirect_dma source(%arg12 : memref<125x128xf32, #tpu.memory_space<vmem>>) target(%dma_start3A_157 : memref<10000x128xf32, #tpu.memory_space<vmem_shared>>) offsets(%arg8 : memref<125xi32, #tpu.memory_space<vmem>>) semaphore(%run_scoped3A : memref<!tpu.dma_semaphore, #tpu.memory_space<semaphore_mem>>) {add = true}
        %dma_wait3A_158 = arith.constant 0 : i32
        %dma_wait3A_159 = arith.constant 0 : i32
        %dma_wait3A_160 = tpu.memref_slice %arg14[%dma_wait3A_158, %dma_wait3A_159] : memref<10000x128xf32, #tpu.memory_space<vmem_shared>> -> memref<10000x128xf32, #tpu.memory_space<vmem_shared>>
        tpu.wait_indirect_dma semaphore(%run_scoped3A : memref<!tpu.dma_semaphore, #tpu.memory_space<semaphore_mem>>) src(%arg12 : memref<125x128xf32, #tpu.memory_space<vmem>>) dst(%dma_wait3A_160 : memref<10000x128xf32, #tpu.memory_space<vmem_shared>>)
        tpu.yield
      }) : () -> ()
      %lt3A = arith.constant 39 : i32
      %lt3A_137 = arith.cmpi slt, %while3A_85, %lt3A : i32
      %convert_element_type3A = arith.extui %lt3A_137 : i1 to i32
      %cond3A = arith.constant 0 : i32
      %cond3A_138 = arith.cmpi ne, %convert_element_type3A, %cond3A : i32
      scf.if %cond3A_138 {
        %add3A_155 = arith.constant 2 : i32
        %add3A_156 = arith.addi %mul3A_87, %add3A_155 : i32
        %dma_start3A_157 = arith.constant 0 : i32
        %dma_start3A_158 = tpu.memref_slice %arg7[%add3A_156, %dma_start3A_157] : memref<80x125xi32, #tpu.memory_space<vmem>> -> memref<1x125xi32, #tpu.memory_space<vmem>>
        %dma_start3A_159 = tpu.memref_squeeze %dma_start3A_158 : memref<1x125xi32, #tpu.memory_space<vmem>> -> memref<125xi32, #tpu.memory_space<vmem>>
        %dma_start3A_160 = arith.constant 0 : i32
        %dma_start3A_161 = arith.constant 0 : i32
        %dma_start3A_162 = tpu.memref_slice %arg2[%dma_start3A_160, %dma_start3A_161] : memref<10000x128xf32, #tpu.memory_space<hbm>> -> memref<10000x128xf32, #tpu.memory_space<hbm>>
        tpu.enqueue_indirect_dma source(%dma_start3A_162 : memref<10000x128xf32, #tpu.memory_space<hbm>>) target(%arg12 : memref<125x128xf32, #tpu.memory_space<vmem>>) offsets(%dma_start3A_159 : memref<125xi32, #tpu.memory_space<vmem>>) semaphore(%arg15 : memref<!tpu.dma_semaphore, #tpu.memory_space<semaphore_mem>>)
        %dma_start3A_163 = arith.constant 0 : i32
        %dma_start3A_164 = tpu.memref_slice %arg4[%add3A, %add3A_156, %dma_start3A_163] : memref<32x80x125xi32, #tpu.memory_space<hbm>> -> memref<1x1x125xi32, #tpu.memory_space<hbm>>
        %dma_start3A_165 = tpu.memref_squeeze %dma_start3A_164 : memref<1x1x125xi32, #tpu.memory_space<hbm>> -> memref<125xi32, #tpu.memory_space<hbm>>
        %dma_start3A_166 = arith.constant 0 : i32
        %dma_start3A_167 = tpu.memref_slice %arg4[%add3A, %add3A_156, %dma_start3A_166] : memref<32x80x125xi32, #tpu.memory_space<hbm>> -> memref<1x1x125xi32, #tpu.memory_space<hbm>>
        %dma_start3A_168 = tpu.memref_squeeze %dma_start3A_167 : memref<1x1x125xi32, #tpu.memory_space<hbm>> -> memref<125xi32, #tpu.memory_space<hbm>>
        tpu.enqueue_dma source(%dma_start3A_168 : memref<125xi32, #tpu.memory_space<hbm>>) target(%arg8 : memref<125xi32, #tpu.memory_space<vmem>>) target_semaphore(%arg15 : memref<!tpu.dma_semaphore, #tpu.memory_space<semaphore_mem>>)
        %dma_start3A_169 = arith.constant 0 : i32
        %dma_start3A_170 = tpu.memref_slice %arg5[%add3A, %add3A_156, %dma_start3A_169] : memref<32x80x2000xf32, #tpu.memory_space<hbm>> -> memref<1x1x2000xf32, #tpu.memory_space<hbm>>
        %dma_start3A_171 = tpu.memref_squeeze %dma_start3A_170 : memref<1x1x2000xf32, #tpu.memory_space<hbm>> -> memref<2000xf32, #tpu.memory_space<hbm>>
        %dma_start3A_172 = arith.constant 0 : i32
        %dma_start3A_173 = tpu.memref_slice %arg5[%add3A, %add3A_156, %dma_start3A_172] : memref<32x80x2000xf32, #tpu.memory_space<hbm>> -> memref<1x1x2000xf32, #tpu.memory_space<hbm>>
        %dma_start3A_174 = tpu.memref_squeeze %dma_start3A_173 : memref<1x1x2000xf32, #tpu.memory_space<hbm>> -> memref<2000xf32, #tpu.memory_space<hbm>>
        tpu.enqueue_dma source(%dma_start3A_174 : memref<2000xf32, #tpu.memory_space<hbm>>) target(%arg10 : memref<2000xf32, #tpu.memory_space<vmem>>) target_semaphore(%arg15 : memref<!tpu.dma_semaphore, #tpu.memory_space<semaphore_mem>>)
      } else {
      }
      %while3A_139 = arith.constant 0 : i32
      %while3A_140 = arith.constant 0 : i32
      %while3A_141 = arith.constant 125 : i32
      %while3A_142 = arith.subi %while3A_141, %while3A_140 : i32
      %while3A_143 = arith.addi %while3A_140, %while3A_142 : i32
      %while3A_144 = arith.constant 1 : i32
      %while3A_145 = arith.divsi %while3A_142, %while3A_144 : i32
      %while3A_146 = arith.muli %while3A_145, %while3A_144 : i32
      %while3A_147 = arith.addi %while3A_140, %while3A_146 : i32
      %while3A_148 = arith.constant 1 : i32
      scf.for %while3A_155 = %while3A_140 to %while3A_147 step %while3A_148  : i32 {
        %mul3A_156 = arith.constant 16 : i32
        %mul3A_157 = arith.muli %while3A_155, %mul3A_156 : i32
        %multiple_of3A = tpu.assume_multiple %mul3A_157, 16 : i32
        %get3A = arith.index_cast %multiple_of3A : i32 to index
        %get3A_158 = tpu.vector_load %arg11[%get3A] {strides = array<i32>} : memref<2000xf32, #tpu.memory_space<vmem>>, vector<16xf32>,
        %get3A_159 = vector.shape_cast %get3A_158 : vector<16xf32> to vector<16xf32>
        %get3A_160 = arith.index_cast %while3A_155 : i32 to index
        %get3A_161 = arith.constant 0 : index
        %get3A_162 = tpu.vector_load %arg13[%get3A_160, %get3A_161] {strides = array<i32>} : memref<125x128xf32, #tpu.memory_space<vmem>>, vector<1x16xf32>,
        %get3A_163 = vector.shape_cast %get3A_162 : vector<1x16xf32> to vector<16xf32>
        %mul3A_164 = arith.mulf %get3A_163, %get3A_159 : vector<16xf32>
        %swap3A = arith.index_cast %while3A_155 : i32 to index
        %swap3A_165 = arith.constant 0 : index
        %swap3A_166 = tpu.vector_load %arg13[%swap3A, %swap3A_165] {strides = array<i32>} : memref<125x128xf32, #tpu.memory_space<vmem>>, vector<1x16xf32>,
        %swap3A_167 = vector.shape_cast %swap3A_166 : vector<1x16xf32> to vector<16xf32>
        %swap3A_168 = vector.shape_cast %mul3A_164 : vector<16xf32> to vector<1x16xf32>
        tpu.vector_store %arg13[%swap3A, %swap3A_165], %swap3A_168 {strides = array<i32>} : memref<125x128xf32, #tpu.memory_space<vmem>>, vector<1x16xf32>,
        %get3A_169 = arith.index_cast %while3A_155 : i32 to index
        %get3A_170 = arith.constant 16 : index
        %get3A_171 = tpu.vector_load %arg13[%get3A_169, %get3A_170] {strides = array<i32>} : memref<125x128xf32, #tpu.memory_space<vmem>>, vector<1x16xf32>,
        %get3A_172 = vector.shape_cast %get3A_171 : vector<1x16xf32> to vector<16xf32>
        %mul3A_173 = arith.mulf %get3A_172, %get3A_159 : vector<16xf32>
        %swap3A_174 = arith.index_cast %while3A_155 : i32 to index
        %swap3A_175 = arith.constant 16 : index
        %swap3A_176 = tpu.vector_load %arg13[%swap3A_174, %swap3A_175] {strides = array<i32>} : memref<125x128xf32, #tpu.memory_space<vmem>>, vector<1x16xf32>,
        %swap3A_177 = vector.shape_cast %swap3A_176 : vector<1x16xf32> to vector<16xf32>
        %swap3A_178 = vector.shape_cast %mul3A_173 : vector<16xf32> to vector<1x16xf32>
        tpu.vector_store %arg13[%swap3A_174, %swap3A_175], %swap3A_178 {strides = array<i32>} : memref<125x128xf32, #tpu.memory_space<vmem>>, vector<1x16xf32>,
        %get3A_179 = arith.index_cast %while3A_155 : i32 to index
        %get3A_180 = arith.constant 32 : index
        %get3A_181 = tpu.vector_load %arg13[%get3A_179, %get3A_180] {strides = array<i32>} : memref<125x128xf32, #tpu.memory_space<vmem>>, vector<1x16xf32>,
        %get3A_182 = vector.shape_cast %get3A_181 : vector<1x16xf32> to vector<16xf32>
        %mul3A_183 = arith.mulf %get3A_182, %get3A_159 : vector<16xf32>
        %swap3A_184 = arith.index_cast %while3A_155 : i32 to index
        %swap3A_185 = arith.constant 32 : index
        %swap3A_186 = tpu.vector_load %arg13[%swap3A_184, %swap3A_185] {strides = array<i32>} : memref<125x128xf32, #tpu.memory_space<vmem>>, vector<1x16xf32>,
        %swap3A_187 = vector.shape_cast %swap3A_186 : vector<1x16xf32> to vector<16xf32>
        %swap3A_188 = vector.shape_cast %mul3A_183 : vector<16xf32> to vector<1x16xf32>
        tpu.vector_store %arg13[%swap3A_184, %swap3A_185], %swap3A_188 {strides = array<i32>} : memref<125x128xf32, #tpu.memory_space<vmem>>, vector<1x16xf32>,
        %get3A_189 = arith.index_cast %while3A_155 : i32 to index
        %get3A_190 = arith.constant 48 : index
        %get3A_191 = tpu.vector_load %arg13[%get3A_189, %get3A_190] {strides = array<i32>} : memref<125x128xf32, #tpu.memory_space<vmem>>, vector<1x16xf32>,
        %get3A_192 = vector.shape_cast %get3A_191 : vector<1x16xf32> to vector<16xf32>
        %mul3A_193 = arith.mulf %get3A_192, %get3A_159 : vector<16xf32>
        %swap3A_194 = arith.index_cast %while3A_155 : i32 to index
        %swap3A_195 = arith.constant 48 : index
        %swap3A_196 = tpu.vector_load %arg13[%swap3A_194, %swap3A_195] {strides = array<i32>} : memref<125x128xf32, #tpu.memory_space<vmem>>, vector<1x16xf32>,
        %swap3A_197 = vector.shape_cast %swap3A_196 : vector<1x16xf32> to vector<16xf32>
        %swap3A_198 = vector.shape_cast %mul3A_193 : vector<16xf32> to vector<1x16xf32>
        tpu.vector_store %arg13[%swap3A_194, %swap3A_195], %swap3A_198 {strides = array<i32>} : memref<125x128xf32, #tpu.memory_space<vmem>>, vector<1x16xf32>,
        %get3A_199 = arith.index_cast %while3A_155 : i32 to index
        %get3A_200 = arith.constant 64 : index
        %get3A_201 = tpu.vector_load %arg13[%get3A_199, %get3A_200] {strides = array<i32>} : memref<125x128xf32, #tpu.memory_space<vmem>>, vector<1x16xf32>,
        %get3A_202 = vector.shape_cast %get3A_201 : vector<1x16xf32> to vector<16xf32>
        %mul3A_203 = arith.mulf %get3A_202, %get3A_159 : vector<16xf32>
        %swap3A_204 = arith.index_cast %while3A_155 : i32 to index
        %swap3A_205 = arith.constant 64 : index
        %swap3A_206 = tpu.vector_load %arg13[%swap3A_204, %swap3A_205] {strides = array<i32>} : memref<125x128xf32, #tpu.memory_space<vmem>>, vector<1x16xf32>,
        %swap3A_207 = vector.shape_cast %swap3A_206 : vector<1x16xf32> to vector<16xf32>
        %swap3A_208 = vector.shape_cast %mul3A_203 : vector<16xf32> to vector<1x16xf32>
        tpu.vector_store %arg13[%swap3A_204, %swap3A_205], %swap3A_208 {strides = array<i32>} : memref<125x128xf32, #tpu.memory_space<vmem>>, vector<1x16xf32>,
        %get3A_209 = arith.index_cast %while3A_155 : i32 to index
        %get3A_210 = arith.constant 80 : index
        %get3A_211 = tpu.vector_load %arg13[%get3A_209, %get3A_210] {strides = array<i32>} : memref<125x128xf32, #tpu.memory_space<vmem>>, vector<1x16xf32>,
        %get3A_212 = vector.shape_cast %get3A_211 : vector<1x16xf32> to vector<16xf32>
        %mul3A_213 = arith.mulf %get3A_212, %get3A_159 : vector<16xf32>
        %swap3A_214 = arith.index_cast %while3A_155 : i32 to index
        %swap3A_215 = arith.constant 80 : index
        %swap3A_216 = tpu.vector_load %arg13[%swap3A_214, %swap3A_215] {strides = array<i32>} : memref<125x128xf32, #tpu.memory_space<vmem>>, vector<1x16xf32>,
        %swap3A_217 = vector.shape_cast %swap3A_216 : vector<1x16xf32> to vector<16xf32>
        %swap3A_218 = vector.shape_cast %mul3A_213 : vector<16xf32> to vector<1x16xf32>
        tpu.vector_store %arg13[%swap3A_214, %swap3A_215], %swap3A_218 {strides = array<i32>} : memref<125x128xf32, #tpu.memory_space<vmem>>, vector<1x16xf32>,
        %get3A_219 = arith.index_cast %while3A_155 : i32 to index
        %get3A_220 = arith.constant 96 : index
        %get3A_221 = tpu.vector_load %arg13[%get3A_219, %get3A_220] {strides = array<i32>} : memref<125x128xf32, #tpu.memory_space<vmem>>, vector<1x16xf32>,
        %get3A_222 = vector.shape_cast %get3A_221 : vector<1x16xf32> to vector<16xf32>
        %mul3A_223 = arith.mulf %get3A_222, %get3A_159 : vector<16xf32>
        %swap3A_224 = arith.index_cast %while3A_155 : i32 to index
        %swap3A_225 = arith.constant 96 : index
        %swap3A_226 = tpu.vector_load %arg13[%swap3A_224, %swap3A_225] {strides = array<i32>} : memref<125x128xf32, #tpu.memory_space<vmem>>, vector<1x16xf32>,
        %swap3A_227 = vector.shape_cast %swap3A_226 : vector<1x16xf32> to vector<16xf32>
        %swap3A_228 = vector.shape_cast %mul3A_223 : vector<16xf32> to vector<1x16xf32>
        tpu.vector_store %arg13[%swap3A_224, %swap3A_225], %swap3A_228 {strides = array<i32>} : memref<125x128xf32, #tpu.memory_space<vmem>>, vector<1x16xf32>,
        %get3A_229 = arith.index_cast %while3A_155 : i32 to index
        %get3A_230 = arith.constant 112 : index
        %get3A_231 = tpu.vector_load %arg13[%get3A_229, %get3A_230] {strides = array<i32>} : memref<125x128xf32, #tpu.memory_space<vmem>>, vector<1x16xf32>,
        %get3A_232 = vector.shape_cast %get3A_231 : vector<1x16xf32> to vector<16xf32>
        %mul3A_233 = arith.mulf %get3A_232, %get3A_159 : vector<16xf32>
        %swap3A_234 = arith.index_cast %while3A_155 : i32 to index
        %swap3A_235 = arith.constant 112 : index
        %swap3A_236 = tpu.vector_load %arg13[%swap3A_234, %swap3A_235] {strides = array<i32>} : memref<125x128xf32, #tpu.memory_space<vmem>>, vector<1x16xf32>,
        %swap3A_237 = vector.shape_cast %swap3A_236 : vector<1x16xf32> to vector<16xf32>
        %swap3A_238 = vector.shape_cast %mul3A_233 : vector<16xf32> to vector<1x16xf32>
        tpu.vector_store %arg13[%swap3A_234, %swap3A_235], %swap3A_238 {strides = array<i32>} : memref<125x128xf32, #tpu.memory_space<vmem>>, vector<1x16xf32>,
      }
      %while3A_149 = arith.constant 1 : i32
      scf.for %while3A_155 = %while3A_147 to %while3A_143 step %while3A_149  : i32 {
        %mul3A_156 = arith.constant 16 : i32
        %mul3A_157 = arith.muli %while3A_155, %mul3A_156 : i32
        %multiple_of3A = tpu.assume_multiple %mul3A_157, 16 : i32
        %get3A = arith.index_cast %multiple_of3A : i32 to index
        %get3A_158 = tpu.vector_load %arg11[%get3A] {strides = array<i32>} : memref<2000xf32, #tpu.memory_space<vmem>>, vector<16xf32>,
        %get3A_159 = vector.shape_cast %get3A_158 : vector<16xf32> to vector<16xf32>
        %get3A_160 = arith.index_cast %while3A_155 : i32 to index
        %get3A_161 = arith.constant 0 : index
        %get3A_162 = tpu.vector_load %arg13[%get3A_160, %get3A_161] {strides = array<i32>} : memref<125x128xf32, #tpu.memory_space<vmem>>, vector<1x16xf32>,
        %get3A_163 = vector.shape_cast %get3A_162 : vector<1x16xf32> to vector<16xf32>
        %mul3A_164 = arith.mulf %get3A_163, %get3A_159 : vector<16xf32>
        %swap3A = arith.index_cast %while3A_155 : i32 to index
        %swap3A_165 = arith.constant 0 : index
        %swap3A_166 = tpu.vector_load %arg13[%swap3A, %swap3A_165] {strides = array<i32>} : memref<125x128xf32, #tpu.memory_space<vmem>>, vector<1x16xf32>,
        %swap3A_167 = vector.shape_cast %swap3A_166 : vector<1x16xf32> to vector<16xf32>
        %swap3A_168 = vector.shape_cast %mul3A_164 : vector<16xf32> to vector<1x16xf32>
        tpu.vector_store %arg13[%swap3A, %swap3A_165], %swap3A_168 {strides = array<i32>} : memref<125x128xf32, #tpu.memory_space<vmem>>, vector<1x16xf32>,
        %get3A_169 = arith.index_cast %while3A_155 : i32 to index
        %get3A_170 = arith.constant 16 : index
        %get3A_171 = tpu.vector_load %arg13[%get3A_169, %get3A_170] {strides = array<i32>} : memref<125x128xf32, #tpu.memory_space<vmem>>, vector<1x16xf32>,
        %get3A_172 = vector.shape_cast %get3A_171 : vector<1x16xf32> to vector<16xf32>
        %mul3A_173 = arith.mulf %get3A_172, %get3A_159 : vector<16xf32>
        %swap3A_174 = arith.index_cast %while3A_155 : i32 to index
        %swap3A_175 = arith.constant 16 : index
        %swap3A_176 = tpu.vector_load %arg13[%swap3A_174, %swap3A_175] {strides = array<i32>} : memref<125x128xf32, #tpu.memory_space<vmem>>, vector<1x16xf32>,
        %swap3A_177 = vector.shape_cast %swap3A_176 : vector<1x16xf32> to vector<16xf32>
        %swap3A_178 = vector.shape_cast %mul3A_173 : vector<16xf32> to vector<1x16xf32>
        tpu.vector_store %arg13[%swap3A_174, %swap3A_175], %swap3A_178 {strides = array<i32>} : memref<125x128xf32, #tpu.memory_space<vmem>>, vector<1x16xf32>,
        %get3A_179 = arith.index_cast %while3A_155 : i32 to index
        %get3A_180 = arith.constant 32 : index
        %get3A_181 = tpu.vector_load %arg13[%get3A_179, %get3A_180] {strides = array<i32>} : memref<125x128xf32, #tpu.memory_space<vmem>>, vector<1x16xf32>,
        %get3A_182 = vector.shape_cast %get3A_181 : vector<1x16xf32> to vector<16xf32>
        %mul3A_183 = arith.mulf %get3A_182, %get3A_159 : vector<16xf32>
        %swap3A_184 = arith.index_cast %while3A_155 : i32 to index
        %swap3A_185 = arith.constant 32 : index
        %swap3A_186 = tpu.vector_load %arg13[%swap3A_184, %swap3A_185] {strides = array<i32>} : memref<125x128xf32, #tpu.memory_space<vmem>>, vector<1x16xf32>,
        %swap3A_187 = vector.shape_cast %swap3A_186 : vector<1x16xf32> to vector<16xf32>
        %swap3A_188 = vector.shape_cast %mul3A_183 : vector<16xf32> to vector<1x16xf32>
        tpu.vector_store %arg13[%swap3A_184, %swap3A_185], %swap3A_188 {strides = array<i32>} : memref<125x128xf32, #tpu.memory_space<vmem>>, vector<1x16xf32>,
        %get3A_189 = arith.index_cast %while3A_155 : i32 to index
        %get3A_190 = arith.constant 48 : index
        %get3A_191 = tpu.vector_load %arg13[%get3A_189, %get3A_190] {strides = array<i32>} : memref<125x128xf32, #tpu.memory_space<vmem>>, vector<1x16xf32>,
        %get3A_192 = vector.shape_cast %get3A_191 : vector<1x16xf32> to vector<16xf32>
        %mul3A_193 = arith.mulf %get3A_192, %get3A_159 : vector<16xf32>
        %swap3A_194 = arith.index_cast %while3A_155 : i32 to index
        %swap3A_195 = arith.constant 48 : index
        %swap3A_196 = tpu.vector_load %arg13[%swap3A_194, %swap3A_195] {strides = array<i32>} : memref<125x128xf32, #tpu.memory_space<vmem>>, vector<1x16xf32>,
        %swap3A_197 = vector.shape_cast %swap3A_196 : vector<1x16xf32> to vector<16xf32>
        %swap3A_198 = vector.shape_cast %mul3A_193 : vector<16xf32> to vector<1x16xf32>
        tpu.vector_store %arg13[%swap3A_194, %swap3A_195], %swap3A_198 {strides = array<i32>} : memref<125x128xf32, #tpu.memory_space<vmem>>, vector<1x16xf32>,
        %get3A_199 = arith.index_cast %while3A_155 : i32 to index
        %get3A_200 = arith.constant 64 : index
        %get3A_201 = tpu.vector_load %arg13[%get3A_199, %get3A_200] {strides = array<i32>} : memref<125x128xf32, #tpu.memory_space<vmem>>, vector<1x16xf32>,
        %get3A_202 = vector.shape_cast %get3A_201 : vector<1x16xf32> to vector<16xf32>
        %mul3A_203 = arith.mulf %get3A_202, %get3A_159 : vector<16xf32>
        %swap3A_204 = arith.index_cast %while3A_155 : i32 to index
        %swap3A_205 = arith.constant 64 : index
        %swap3A_206 = tpu.vector_load %arg13[%swap3A_204, %swap3A_205] {strides = array<i32>} : memref<125x128xf32, #tpu.memory_space<vmem>>, vector<1x16xf32>,
        %swap3A_207 = vector.shape_cast %swap3A_206 : vector<1x16xf32> to vector<16xf32>
        %swap3A_208 = vector.shape_cast %mul3A_203 : vector<16xf32> to vector<1x16xf32>
        tpu.vector_store %arg13[%swap3A_204, %swap3A_205], %swap3A_208 {strides = array<i32>} : memref<125x128xf32, #tpu.memory_space<vmem>>, vector<1x16xf32>,
        %get3A_209 = arith.index_cast %while3A_155 : i32 to index
        %get3A_210 = arith.constant 80 : index
        %get3A_211 = tpu.vector_load %arg13[%get3A_209, %get3A_210] {strides = array<i32>} : memref<125x128xf32, #tpu.memory_space<vmem>>, vector<1x16xf32>,
        %get3A_212 = vector.shape_cast %get3A_211 : vector<1x16xf32> to vector<16xf32>
        %mul3A_213 = arith.mulf %get3A_212, %get3A_159 : vector<16xf32>
        %swap3A_214 = arith.index_cast %while3A_155 : i32 to index
        %swap3A_215 = arith.constant 80 : index
        %swap3A_216 = tpu.vector_load %arg13[%swap3A_214, %swap3A_215] {strides = array<i32>} : memref<125x128xf32, #tpu.memory_space<vmem>>, vector<1x16xf32>,
        %swap3A_217 = vector.shape_cast %swap3A_216 : vector<1x16xf32> to vector<16xf32>
        %swap3A_218 = vector.shape_cast %mul3A_213 : vector<16xf32> to vector<1x16xf32>
        tpu.vector_store %arg13[%swap3A_214, %swap3A_215], %swap3A_218 {strides = array<i32>} : memref<125x128xf32, #tpu.memory_space<vmem>>, vector<1x16xf32>,
        %get3A_219 = arith.index_cast %while3A_155 : i32 to index
        %get3A_220 = arith.constant 96 : index
        %get3A_221 = tpu.vector_load %arg13[%get3A_219, %get3A_220] {strides = array<i32>} : memref<125x128xf32, #tpu.memory_space<vmem>>, vector<1x16xf32>,
        %get3A_222 = vector.shape_cast %get3A_221 : vector<1x16xf32> to vector<16xf32>
        %mul3A_223 = arith.mulf %get3A_222, %get3A_159 : vector<16xf32>
        %swap3A_224 = arith.index_cast %while3A_155 : i32 to index
        %swap3A_225 = arith.constant 96 : index
        %swap3A_226 = tpu.vector_load %arg13[%swap3A_224, %swap3A_225] {strides = array<i32>} : memref<125x128xf32, #tpu.memory_space<vmem>>, vector<1x16xf32>,
        %swap3A_227 = vector.shape_cast %swap3A_226 : vector<1x16xf32> to vector<16xf32>
        %swap3A_228 = vector.shape_cast %mul3A_223 : vector<16xf32> to vector<1x16xf32>
        tpu.vector_store %arg13[%swap3A_224, %swap3A_225], %swap3A_228 {strides = array<i32>} : memref<125x128xf32, #tpu.memory_space<vmem>>, vector<1x16xf32>,
        %get3A_229 = arith.index_cast %while3A_155 : i32 to index
        %get3A_230 = arith.constant 112 : index
        %get3A_231 = tpu.vector_load %arg13[%get3A_229, %get3A_230] {strides = array<i32>} : memref<125x128xf32, #tpu.memory_space<vmem>>, vector<1x16xf32>,
        %get3A_232 = vector.shape_cast %get3A_231 : vector<1x16xf32> to vector<16xf32>
        %mul3A_233 = arith.mulf %get3A_232, %get3A_159 : vector<16xf32>
        %swap3A_234 = arith.index_cast %while3A_155 : i32 to index
        %swap3A_235 = arith.constant 112 : index
        %swap3A_236 = tpu.vector_load %arg13[%swap3A_234, %swap3A_235] {strides = array<i32>} : memref<125x128xf32, #tpu.memory_space<vmem>>, vector<1x16xf32>,
        %swap3A_237 = vector.shape_cast %swap3A_236 : vector<1x16xf32> to vector<16xf32>
        %swap3A_238 = vector.shape_cast %mul3A_233 : vector<16xf32> to vector<1x16xf32>
        tpu.vector_store %arg13[%swap3A_234, %swap3A_235], %swap3A_238 {strides = array<i32>} : memref<125x128xf32, #tpu.memory_space<vmem>>, vector<1x16xf32>,
      }
      %lt3A_150 = arith.constant 39 : i32
      %lt3A_151 = arith.cmpi slt, %while3A_85, %lt3A_150 : i32
      %convert_element_type3A_152 = arith.extui %lt3A_151 : i1 to i32
      %cond3A_153 = arith.constant 0 : i32
      %cond3A_154 = arith.cmpi ne, %convert_element_type3A_152, %cond3A_153 : i32
      scf.if %cond3A_154 {
        %add3A_155 = arith.constant 2 : i32
        %add3A_156 = arith.addi %mul3A_87, %add3A_155 : i32
        %dma_wait3A_157 = arith.constant 0 : i32
        %dma_wait3A_158 = tpu.memref_slice %arg7[%add3A_156, %dma_wait3A_157] : memref<80x125xi32, #tpu.memory_space<vmem>> -> memref<1x125xi32, #tpu.memory_space<vmem>>
        %dma_wait3A_159 = tpu.memref_squeeze %dma_wait3A_158 : memref<1x125xi32, #tpu.memory_space<vmem>> -> memref<125xi32, #tpu.memory_space<vmem>>
        %dma_wait3A_160 = arith.constant 0 : i32
        %dma_wait3A_161 = arith.constant 0 : i32
        %dma_wait3A_162 = tpu.memref_slice %arg2[%dma_wait3A_160, %dma_wait3A_161] : memref<10000x128xf32, #tpu.memory_space<hbm>> -> memref<10000x128xf32, #tpu.memory_space<hbm>>
        tpu.wait_indirect_dma semaphore(%arg15 : memref<!tpu.dma_semaphore, #tpu.memory_space<semaphore_mem>>) src(%dma_wait3A_162 : memref<10000x128xf32, #tpu.memory_space<hbm>>) dst(%arg12 : memref<125x128xf32, #tpu.memory_space<vmem>>)
        %dma_wait3A_163 = arith.constant 0 : i32
        %dma_wait3A_164 = tpu.memref_slice %arg4[%add3A, %add3A_156, %dma_wait3A_163] : memref<32x80x125xi32, #tpu.memory_space<hbm>> -> memref<1x1x125xi32, #tpu.memory_space<hbm>>
        %dma_wait3A_165 = tpu.memref_squeeze %dma_wait3A_164 : memref<1x1x125xi32, #tpu.memory_space<hbm>> -> memref<125xi32, #tpu.memory_space<hbm>>
        %dma_wait3A_166 = arith.constant 0 : i32
        %dma_wait3A_167 = tpu.memref_slice %arg4[%add3A, %add3A_156, %dma_wait3A_166] : memref<32x80x125xi32, #tpu.memory_space<hbm>> -> memref<1x1x125xi32, #tpu.memory_space<hbm>>
        %dma_wait3A_168 = tpu.memref_squeeze %dma_wait3A_167 : memref<1x1x125xi32, #tpu.memory_space<hbm>> -> memref<125xi32, #tpu.memory_space<hbm>>
        tpu.wait_dma2 semaphore(%arg15 : memref<!tpu.dma_semaphore, #tpu.memory_space<semaphore_mem>>) src(%dma_wait3A_168 : memref<125xi32, #tpu.memory_space<hbm>>) dst(%arg8 : memref<125xi32, #tpu.memory_space<vmem>>)
        %dma_wait3A_169 = arith.constant 0 : i32
        %dma_wait3A_170 = tpu.memref_slice %arg5[%add3A, %add3A_156, %dma_wait3A_169] : memref<32x80x2000xf32, #tpu.memory_space<hbm>> -> memref<1x1x2000xf32, #tpu.memory_space<hbm>>
        %dma_wait3A_171 = tpu.memref_squeeze %dma_wait3A_170 : memref<1x1x2000xf32, #tpu.memory_space<hbm>> -> memref<2000xf32, #tpu.memory_space<hbm>>
        %dma_wait3A_172 = arith.constant 0 : i32
        %dma_wait3A_173 = tpu.memref_slice %arg5[%add3A, %add3A_156, %dma_wait3A_172] : memref<32x80x2000xf32, #tpu.memory_space<hbm>> -> memref<1x1x2000xf32, #tpu.memory_space<hbm>>
        %dma_wait3A_174 = tpu.memref_squeeze %dma_wait3A_173 : memref<1x1x2000xf32, #tpu.memory_space<hbm>> -> memref<2000xf32, #tpu.memory_space<hbm>>
        tpu.wait_dma2 semaphore(%arg15 : memref<!tpu.dma_semaphore, #tpu.memory_space<semaphore_mem>>) src(%dma_wait3A_174 : memref<2000xf32, #tpu.memory_space<hbm>>) dst(%arg10 : memref<2000xf32, #tpu.memory_space<vmem>>)
      } else {
      }
      "tpu.region"() ({
        %run_scoped3A = tpu.sem_alloc : memref<!tpu.dma_semaphore, #tpu.memory_space<semaphore_mem>>
        %dma_start3A_155 = arith.constant 0 : i32
        %dma_start3A_156 = arith.constant 0 : i32
        %dma_start3A_157 = tpu.memref_slice %arg14[%dma_start3A_155, %dma_start3A_156] : memref<10000x128xf32, #tpu.memory_space<vmem_shared>> -> memref<10000x128xf32, #tpu.memory_space<vmem_shared>>
        tpu.enqueue_indirect_dma source(%arg13 : memref<125x128xf32, #tpu.memory_space<vmem>>) target(%dma_start3A_157 : memref<10000x128xf32, #tpu.memory_space<vmem_shared>>) offsets(%arg9 : memref<125xi32, #tpu.memory_space<vmem>>) semaphore(%run_scoped3A : memref<!tpu.dma_semaphore, #tpu.memory_space<semaphore_mem>>) {add = true}
        %dma_wait3A_158 = arith.constant 0 : i32
        %dma_wait3A_159 = arith.constant 0 : i32
        %dma_wait3A_160 = tpu.memref_slice %arg14[%dma_wait3A_158, %dma_wait3A_159] : memref<10000x128xf32, #tpu.memory_space<vmem_shared>> -> memref<10000x128xf32, #tpu.memory_space<vmem_shared>>
        tpu.wait_indirect_dma semaphore(%run_scoped3A : memref<!tpu.dma_semaphore, #tpu.memory_space<semaphore_mem>>) src(%arg13 : memref<125x128xf32, #tpu.memory_space<vmem>>) dst(%dma_wait3A_160 : memref<10000x128xf32, #tpu.memory_space<vmem_shared>>)
        tpu.yield
      }) : () -> ()
    }
    %while3A_81 = arith.constant 1 : i32
    scf.for %while3A_85 = %while3A_79 to %while3A_75 step %while3A_81  : i32 {
      %mul3A_86 = arith.constant 2 : i32
      %mul3A_87 = arith.muli %mul3A_86, %while3A_85 : i32
      %add3A_88 = arith.constant 1 : i32
      %add3A_89 = arith.addi %mul3A_87, %add3A_88 : i32
      %dma_start3A_90 = arith.constant 0 : i32
      %dma_start3A_91 = tpu.memref_slice %arg7[%add3A_89, %dma_start3A_90] : memref<80x125xi32, #tpu.memory_space<vmem>> -> memref<1x125xi32, #tpu.memory_space<vmem>>
      %dma_start3A_92 = tpu.memref_squeeze %dma_start3A_91 : memref<1x125xi32, #tpu.memory_space<vmem>> -> memref<125xi32, #tpu.memory_space<vmem>>
      %dma_start3A_93 = arith.constant 0 : i32
      %dma_start3A_94 = arith.constant 0 : i32
      %dma_start3A_95 = tpu.memref_slice %arg2[%dma_start3A_93, %dma_start3A_94] : memref<10000x128xf32, #tpu.memory_space<hbm>> -> memref<10000x128xf32, #tpu.memory_space<hbm>>
      tpu.enqueue_indirect_dma source(%dma_start3A_95 : memref<10000x128xf32, #tpu.memory_space<hbm>>) target(%arg13 : memref<125x128xf32, #tpu.memory_space<vmem>>) offsets(%dma_start3A_92 : memref<125xi32, #tpu.memory_space<vmem>>) semaphore(%arg16 : memref<!tpu.dma_semaphore, #tpu.memory_space<semaphore_mem>>)
      %dma_start3A_96 = arith.constant 0 : i32
      %dma_start3A_97 = tpu.memref_slice %arg4[%add3A, %add3A_89, %dma_start3A_96] : memref<32x80x125xi32, #tpu.memory_space<hbm>> -> memref<1x1x125xi32, #tpu.memory_space<hbm>>
      %dma_start3A_98 = tpu.memref_squeeze %dma_start3A_97 : memref<1x1x125xi32, #tpu.memory_space<hbm>> -> memref<125xi32, #tpu.memory_space<hbm>>
      %dma_start3A_99 = arith.constant 0 : i32
      %dma_start3A_100 = tpu.memref_slice %arg4[%add3A, %add3A_89, %dma_start3A_99] : memref<32x80x125xi32, #tpu.memory_space<hbm>> -> memref<1x1x125xi32, #tpu.memory_space<hbm>>
      %dma_start3A_101 = tpu.memref_squeeze %dma_start3A_100 : memref<1x1x125xi32, #tpu.memory_space<hbm>> -> memref<125xi32, #tpu.memory_space<hbm>>
      tpu.enqueue_dma source(%dma_start3A_101 : memref<125xi32, #tpu.memory_space<hbm>>) target(%arg9 : memref<125xi32, #tpu.memory_space<vmem>>) target_semaphore(%arg16 : memref<!tpu.dma_semaphore, #tpu.memory_space<semaphore_mem>>)
      %dma_start3A_102 = arith.constant 0 : i32
      %dma_start3A_103 = tpu.memref_slice %arg5[%add3A, %add3A_89, %dma_start3A_102] : memref<32x80x2000xf32, #tpu.memory_space<hbm>> -> memref<1x1x2000xf32, #tpu.memory_space<hbm>>
      %dma_start3A_104 = tpu.memref_squeeze %dma_start3A_103 : memref<1x1x2000xf32, #tpu.memory_space<hbm>> -> memref<2000xf32, #tpu.memory_space<hbm>>
      %dma_start3A_105 = arith.constant 0 : i32
      %dma_start3A_106 = tpu.memref_slice %arg5[%add3A, %add3A_89, %dma_start3A_105] : memref<32x80x2000xf32, #tpu.memory_space<hbm>> -> memref<1x1x2000xf32, #tpu.memory_space<hbm>>
      %dma_start3A_107 = tpu.memref_squeeze %dma_start3A_106 : memref<1x1x2000xf32, #tpu.memory_space<hbm>> -> memref<2000xf32, #tpu.memory_space<hbm>>
      tpu.enqueue_dma source(%dma_start3A_107 : memref<2000xf32, #tpu.memory_space<hbm>>) target(%arg11 : memref<2000xf32, #tpu.memory_space<vmem>>) target_semaphore(%arg16 : memref<!tpu.dma_semaphore, #tpu.memory_space<semaphore_mem>>)
      %while3A_108 = arith.constant 0 : i32
      %while3A_109 = arith.constant 0 : i32
      %while3A_110 = arith.constant 125 : i32
      %while3A_111 = arith.subi %while3A_110, %while3A_109 : i32
      %while3A_112 = arith.addi %while3A_109, %while3A_111 : i32
      %while3A_113 = arith.constant 1 : i32
      %while3A_114 = arith.divsi %while3A_111, %while3A_113 : i32
      %while3A_115 = arith.muli %while3A_114, %while3A_113 : i32
      %while3A_116 = arith.addi %while3A_109, %while3A_115 : i32
      %while3A_117 = arith.constant 1 : i32
      scf.for %while3A_155 = %while3A_109 to %while3A_116 step %while3A_117  : i32 {
        %mul3A_156 = arith.constant 16 : i32
        %mul3A_157 = arith.muli %while3A_155, %mul3A_156 : i32
        %multiple_of3A = tpu.assume_multiple %mul3A_157, 16 : i32
        %get3A = arith.index_cast %multiple_of3A : i32 to index
        %get3A_158 = tpu.vector_load %arg10[%get3A] {strides = array<i32>} : memref<2000xf32, #tpu.memory_space<vmem>>, vector<16xf32>,
        %get3A_159 = vector.shape_cast %get3A_158 : vector<16xf32> to vector<16xf32>
        %get3A_160 = arith.index_cast %while3A_155 : i32 to index
        %get3A_161 = arith.constant 0 : index
        %get3A_162 = tpu.vector_load %arg12[%get3A_160, %get3A_161] {strides = array<i32>} : memref<125x128xf32, #tpu.memory_space<vmem>>, vector<1x16xf32>,
        %get3A_163 = vector.shape_cast %get3A_162 : vector<1x16xf32> to vector<16xf32>
        %mul3A_164 = arith.mulf %get3A_163, %get3A_159 : vector<16xf32>
        %swap3A = arith.index_cast %while3A_155 : i32 to index
        %swap3A_165 = arith.constant 0 : index
        %swap3A_166 = tpu.vector_load %arg12[%swap3A, %swap3A_165] {strides = array<i32>} : memref<125x128xf32, #tpu.memory_space<vmem>>, vector<1x16xf32>,
        %swap3A_167 = vector.shape_cast %swap3A_166 : vector<1x16xf32> to vector<16xf32>
        %swap3A_168 = vector.shape_cast %mul3A_164 : vector<16xf32> to vector<1x16xf32>
        tpu.vector_store %arg12[%swap3A, %swap3A_165], %swap3A_168 {strides = array<i32>} : memref<125x128xf32, #tpu.memory_space<vmem>>, vector<1x16xf32>,
        %get3A_169 = arith.index_cast %while3A_155 : i32 to index
        %get3A_170 = arith.constant 16 : index
        %get3A_171 = tpu.vector_load %arg12[%get3A_169, %get3A_170] {strides = array<i32>} : memref<125x128xf32, #tpu.memory_space<vmem>>, vector<1x16xf32>,
        %get3A_172 = vector.shape_cast %get3A_171 : vector<1x16xf32> to vector<16xf32>
        %mul3A_173 = arith.mulf %get3A_172, %get3A_159 : vector<16xf32>
        %swap3A_174 = arith.index_cast %while3A_155 : i32 to index
        %swap3A_175 = arith.constant 16 : index
        %swap3A_176 = tpu.vector_load %arg12[%swap3A_174, %swap3A_175] {strides = array<i32>} : memref<125x128xf32, #tpu.memory_space<vmem>>, vector<1x16xf32>,
        %swap3A_177 = vector.shape_cast %swap3A_176 : vector<1x16xf32> to vector<16xf32>
        %swap3A_178 = vector.shape_cast %mul3A_173 : vector<16xf32> to vector<1x16xf32>
        tpu.vector_store %arg12[%swap3A_174, %swap3A_175], %swap3A_178 {strides = array<i32>} : memref<125x128xf32, #tpu.memory_space<vmem>>, vector<1x16xf32>,
        %get3A_179 = arith.index_cast %while3A_155 : i32 to index
        %get3A_180 = arith.constant 32 : index
        %get3A_181 = tpu.vector_load %arg12[%get3A_179, %get3A_180] {strides = array<i32>} : memref<125x128xf32, #tpu.memory_space<vmem>>, vector<1x16xf32>,
        %get3A_182 = vector.shape_cast %get3A_181 : vector<1x16xf32> to vector<16xf32>
        %mul3A_183 = arith.mulf %get3A_182, %get3A_159 : vector<16xf32>
        %swap3A_184 = arith.index_cast %while3A_155 : i32 to index
        %swap3A_185 = arith.constant 32 : index
        %swap3A_186 = tpu.vector_load %arg12[%swap3A_184, %swap3A_185] {strides = array<i32>} : memref<125x128xf32, #tpu.memory_space<vmem>>, vector<1x16xf32>,
        %swap3A_187 = vector.shape_cast %swap3A_186 : vector<1x16xf32> to vector<16xf32>
        %swap3A_188 = vector.shape_cast %mul3A_183 : vector<16xf32> to vector<1x16xf32>
        tpu.vector_store %arg12[%swap3A_184, %swap3A_185], %swap3A_188 {strides = array<i32>} : memref<125x128xf32, #tpu.memory_space<vmem>>, vector<1x16xf32>,
        %get3A_189 = arith.index_cast %while3A_155 : i32 to index
        %get3A_190 = arith.constant 48 : index
        %get3A_191 = tpu.vector_load %arg12[%get3A_189, %get3A_190] {strides = array<i32>} : memref<125x128xf32, #tpu.memory_space<vmem>>, vector<1x16xf32>,
        %get3A_192 = vector.shape_cast %get3A_191 : vector<1x16xf32> to vector<16xf32>
        %mul3A_193 = arith.mulf %get3A_192, %get3A_159 : vector<16xf32>
        %swap3A_194 = arith.index_cast %while3A_155 : i32 to index
        %swap3A_195 = arith.constant 48 : index
        %swap3A_196 = tpu.vector_load %arg12[%swap3A_194, %swap3A_195] {strides = array<i32>} : memref<125x128xf32, #tpu.memory_space<vmem>>, vector<1x16xf32>,
        %swap3A_197 = vector.shape_cast %swap3A_196 : vector<1x16xf32> to vector<16xf32>
        %swap3A_198 = vector.shape_cast %mul3A_193 : vector<16xf32> to vector<1x16xf32>
        tpu.vector_store %arg12[%swap3A_194, %swap3A_195], %swap3A_198 {strides = array<i32>} : memref<125x128xf32, #tpu.memory_space<vmem>>, vector<1x16xf32>,
        %get3A_199 = arith.index_cast %while3A_155 : i32 to index
        %get3A_200 = arith.constant 64 : index
        %get3A_201 = tpu.vector_load %arg12[%get3A_199, %get3A_200] {strides = array<i32>} : memref<125x128xf32, #tpu.memory_space<vmem>>, vector<1x16xf32>,
        %get3A_202 = vector.shape_cast %get3A_201 : vector<1x16xf32> to vector<16xf32>
        %mul3A_203 = arith.mulf %get3A_202, %get3A_159 : vector<16xf32>
        %swap3A_204 = arith.index_cast %while3A_155 : i32 to index
        %swap3A_205 = arith.constant 64 : index
        %swap3A_206 = tpu.vector_load %arg12[%swap3A_204, %swap3A_205] {strides = array<i32>} : memref<125x128xf32, #tpu.memory_space<vmem>>, vector<1x16xf32>,
        %swap3A_207 = vector.shape_cast %swap3A_206 : vector<1x16xf32> to vector<16xf32>
        %swap3A_208 = vector.shape_cast %mul3A_203 : vector<16xf32> to vector<1x16xf32>
        tpu.vector_store %arg12[%swap3A_204, %swap3A_205], %swap3A_208 {strides = array<i32>} : memref<125x128xf32, #tpu.memory_space<vmem>>, vector<1x16xf32>,
        %get3A_209 = arith.index_cast %while3A_155 : i32 to index
        %get3A_210 = arith.constant 80 : index
        %get3A_211 = tpu.vector_load %arg12[%get3A_209, %get3A_210] {strides = array<i32>} : memref<125x128xf32, #tpu.memory_space<vmem>>, vector<1x16xf32>,
        %get3A_212 = vector.shape_cast %get3A_211 : vector<1x16xf32> to vector<16xf32>
        %mul3A_213 = arith.mulf %get3A_212, %get3A_159 : vector<16xf32>
        %swap3A_214 = arith.index_cast %while3A_155 : i32 to index
        %swap3A_215 = arith.constant 80 : index
        %swap3A_216 = tpu.vector_load %arg12[%swap3A_214, %swap3A_215] {strides = array<i32>} : memref<125x128xf32, #tpu.memory_space<vmem>>, vector<1x16xf32>,
        %swap3A_217 = vector.shape_cast %swap3A_216 : vector<1x16xf32> to vector<16xf32>
        %swap3A_218 = vector.shape_cast %mul3A_213 : vector<16xf32> to vector<1x16xf32>
        tpu.vector_store %arg12[%swap3A_214, %swap3A_215], %swap3A_218 {strides = array<i32>} : memref<125x128xf32, #tpu.memory_space<vmem>>, vector<1x16xf32>,
        %get3A_219 = arith.index_cast %while3A_155 : i32 to index
        %get3A_220 = arith.constant 96 : index
        %get3A_221 = tpu.vector_load %arg12[%get3A_219, %get3A_220] {strides = array<i32>} : memref<125x128xf32, #tpu.memory_space<vmem>>, vector<1x16xf32>,
        %get3A_222 = vector.shape_cast %get3A_221 : vector<1x16xf32> to vector<16xf32>
        %mul3A_223 = arith.mulf %get3A_222, %get3A_159 : vector<16xf32>
        %swap3A_224 = arith.index_cast %while3A_155 : i32 to index
        %swap3A_225 = arith.constant 96 : index
        %swap3A_226 = tpu.vector_load %arg12[%swap3A_224, %swap3A_225] {strides = array<i32>} : memref<125x128xf32, #tpu.memory_space<vmem>>, vector<1x16xf32>,
        %swap3A_227 = vector.shape_cast %swap3A_226 : vector<1x16xf32> to vector<16xf32>
        %swap3A_228 = vector.shape_cast %mul3A_223 : vector<16xf32> to vector<1x16xf32>
        tpu.vector_store %arg12[%swap3A_224, %swap3A_225], %swap3A_228 {strides = array<i32>} : memref<125x128xf32, #tpu.memory_space<vmem>>, vector<1x16xf32>,
        %get3A_229 = arith.index_cast %while3A_155 : i32 to index
        %get3A_230 = arith.constant 112 : index
        %get3A_231 = tpu.vector_load %arg12[%get3A_229, %get3A_230] {strides = array<i32>} : memref<125x128xf32, #tpu.memory_space<vmem>>, vector<1x16xf32>,
        %get3A_232 = vector.shape_cast %get3A_231 : vector<1x16xf32> to vector<16xf32>
        %mul3A_233 = arith.mulf %get3A_232, %get3A_159 : vector<16xf32>
        %swap3A_234 = arith.index_cast %while3A_155 : i32 to index
        %swap3A_235 = arith.constant 112 : index
        %swap3A_236 = tpu.vector_load %arg12[%swap3A_234, %swap3A_235] {strides = array<i32>} : memref<125x128xf32, #tpu.memory_space<vmem>>, vector<1x16xf32>,
        %swap3A_237 = vector.shape_cast %swap3A_236 : vector<1x16xf32> to vector<16xf32>
        %swap3A_238 = vector.shape_cast %mul3A_233 : vector<16xf32> to vector<1x16xf32>
        tpu.vector_store %arg12[%swap3A_234, %swap3A_235], %swap3A_238 {strides = array<i32>} : memref<125x128xf32, #tpu.memory_space<vmem>>, vector<1x16xf32>,
      }
      %while3A_118 = arith.constant 1 : i32
      scf.for %while3A_155 = %while3A_116 to %while3A_112 step %while3A_118  : i32 {
        %mul3A_156 = arith.constant 16 : i32
        %mul3A_157 = arith.muli %while3A_155, %mul3A_156 : i32
        %multiple_of3A = tpu.assume_multiple %mul3A_157, 16 : i32
        %get3A = arith.index_cast %multiple_of3A : i32 to index
        %get3A_158 = tpu.vector_load %arg10[%get3A] {strides = array<i32>} : memref<2000xf32, #tpu.memory_space<vmem>>, vector<16xf32>,
        %get3A_159 = vector.shape_cast %get3A_158 : vector<16xf32> to vector<16xf32>
        %get3A_160 = arith.index_cast %while3A_155 : i32 to index
        %get3A_161 = arith.constant 0 : index
        %get3A_162 = tpu.vector_load %arg12[%get3A_160, %get3A_161] {strides = array<i32>} : memref<125x128xf32, #tpu.memory_space<vmem>>, vector<1x16xf32>,
        %get3A_163 = vector.shape_cast %get3A_162 : vector<1x16xf32> to vector<16xf32>
        %mul3A_164 = arith.mulf %get3A_163, %get3A_159 : vector<16xf32>
        %swap3A = arith.index_cast %while3A_155 : i32 to index
        %swap3A_165 = arith.constant 0 : index
        %swap3A_166 = tpu.vector_load %arg12[%swap3A, %swap3A_165] {strides = array<i32>} : memref<125x128xf32, #tpu.memory_space<vmem>>, vector<1x16xf32>,
        %swap3A_167 = vector.shape_cast %swap3A_166 : vector<1x16xf32> to vector<16xf32>
        %swap3A_168 = vector.shape_cast %mul3A_164 : vector<16xf32> to vector<1x16xf32>
        tpu.vector_store %arg12[%swap3A, %swap3A_165], %swap3A_168 {strides = array<i32>} : memref<125x128xf32, #tpu.memory_space<vmem>>, vector<1x16xf32>,
        %get3A_169 = arith.index_cast %while3A_155 : i32 to index
        %get3A_170 = arith.constant 16 : index
        %get3A_171 = tpu.vector_load %arg12[%get3A_169, %get3A_170] {strides = array<i32>} : memref<125x128xf32, #tpu.memory_space<vmem>>, vector<1x16xf32>,
        %get3A_172 = vector.shape_cast %get3A_171 : vector<1x16xf32> to vector<16xf32>
        %mul3A_173 = arith.mulf %get3A_172, %get3A_159 : vector<16xf32>
        %swap3A_174 = arith.index_cast %while3A_155 : i32 to index
        %swap3A_175 = arith.constant 16 : index
        %swap3A_176 = tpu.vector_load %arg12[%swap3A_174, %swap3A_175] {strides = array<i32>} : memref<125x128xf32, #tpu.memory_space<vmem>>, vector<1x16xf32>,
        %swap3A_177 = vector.shape_cast %swap3A_176 : vector<1x16xf32> to vector<16xf32>
        %swap3A_178 = vector.shape_cast %mul3A_173 : vector<16xf32> to vector<1x16xf32>
        tpu.vector_store %arg12[%swap3A_174, %swap3A_175], %swap3A_178 {strides = array<i32>} : memref<125x128xf32, #tpu.memory_space<vmem>>, vector<1x16xf32>,
        %get3A_179 = arith.index_cast %while3A_155 : i32 to index
        %get3A_180 = arith.constant 32 : index
        %get3A_181 = tpu.vector_load %arg12[%get3A_179, %get3A_180] {strides = array<i32>} : memref<125x128xf32, #tpu.memory_space<vmem>>, vector<1x16xf32>,
        %get3A_182 = vector.shape_cast %get3A_181 : vector<1x16xf32> to vector<16xf32>
        %mul3A_183 = arith.mulf %get3A_182, %get3A_159 : vector<16xf32>
        %swap3A_184 = arith.index_cast %while3A_155 : i32 to index
        %swap3A_185 = arith.constant 32 : index
        %swap3A_186 = tpu.vector_load %arg12[%swap3A_184, %swap3A_185] {strides = array<i32>} : memref<125x128xf32, #tpu.memory_space<vmem>>, vector<1x16xf32>,
        %swap3A_187 = vector.shape_cast %swap3A_186 : vector<1x16xf32> to vector<16xf32>
        %swap3A_188 = vector.shape_cast %mul3A_183 : vector<16xf32> to vector<1x16xf32>
        tpu.vector_store %arg12[%swap3A_184, %swap3A_185], %swap3A_188 {strides = array<i32>} : memref<125x128xf32, #tpu.memory_space<vmem>>, vector<1x16xf32>,
        %get3A_189 = arith.index_cast %while3A_155 : i32 to index
        %get3A_190 = arith.constant 48 : index
        %get3A_191 = tpu.vector_load %arg12[%get3A_189, %get3A_190] {strides = array<i32>} : memref<125x128xf32, #tpu.memory_space<vmem>>, vector<1x16xf32>,
        %get3A_192 = vector.shape_cast %get3A_191 : vector<1x16xf32> to vector<16xf32>
        %mul3A_193 = arith.mulf %get3A_192, %get3A_159 : vector<16xf32>
        %swap3A_194 = arith.index_cast %while3A_155 : i32 to index
        %swap3A_195 = arith.constant 48 : index
        %swap3A_196 = tpu.vector_load %arg12[%swap3A_194, %swap3A_195] {strides = array<i32>} : memref<125x128xf32, #tpu.memory_space<vmem>>, vector<1x16xf32>,
        %swap3A_197 = vector.shape_cast %swap3A_196 : vector<1x16xf32> to vector<16xf32>
        %swap3A_198 = vector.shape_cast %mul3A_193 : vector<16xf32> to vector<1x16xf32>
        tpu.vector_store %arg12[%swap3A_194, %swap3A_195], %swap3A_198 {strides = array<i32>} : memref<125x128xf32, #tpu.memory_space<vmem>>, vector<1x16xf32>,
        %get3A_199 = arith.index_cast %while3A_155 : i32 to index
        %get3A_200 = arith.constant 64 : index
        %get3A_201 = tpu.vector_load %arg12[%get3A_199, %get3A_200] {strides = array<i32>} : memref<125x128xf32, #tpu.memory_space<vmem>>, vector<1x16xf32>,
        %get3A_202 = vector.shape_cast %get3A_201 : vector<1x16xf32> to vector<16xf32>
        %mul3A_203 = arith.mulf %get3A_202, %get3A_159 : vector<16xf32>
        %swap3A_204 = arith.index_cast %while3A_155 : i32 to index
        %swap3A_205 = arith.constant 64 : index
        %swap3A_206 = tpu.vector_load %arg12[%swap3A_204, %swap3A_205] {strides = array<i32>} : memref<125x128xf32, #tpu.memory_space<vmem>>, vector<1x16xf32>,
        %swap3A_207 = vector.shape_cast %swap3A_206 : vector<1x16xf32> to vector<16xf32>
        %swap3A_208 = vector.shape_cast %mul3A_203 : vector<16xf32> to vector<1x16xf32>
        tpu.vector_store %arg12[%swap3A_204, %swap3A_205], %swap3A_208 {strides = array<i32>} : memref<125x128xf32, #tpu.memory_space<vmem>>, vector<1x16xf32>,
        %get3A_209 = arith.index_cast %while3A_155 : i32 to index
        %get3A_210 = arith.constant 80 : index
        %get3A_211 = tpu.vector_load %arg12[%get3A_209, %get3A_210] {strides = array<i32>} : memref<125x128xf32, #tpu.memory_space<vmem>>, vector<1x16xf32>,
        %get3A_212 = vector.shape_cast %get3A_211 : vector<1x16xf32> to vector<16xf32>
        %mul3A_213 = arith.mulf %get3A_212, %get3A_159 : vector<16xf32>
        %swap3A_214 = arith.index_cast %while3A_155 : i32 to index
        %swap3A_215 = arith.constant 80 : index
        %swap3A_216 = tpu.vector_load %arg12[%swap3A_214, %swap3A_215] {strides = array<i32>} : memref<125x128xf32, #tpu.memory_space<vmem>>, vector<1x16xf32>,
        %swap3A_217 = vector.shape_cast %swap3A_216 : vector<1x16xf32> to vector<16xf32>
        %swap3A_218 = vector.shape_cast %mul3A_213 : vector<16xf32> to vector<1x16xf32>
        tpu.vector_store %arg12[%swap3A_214, %swap3A_215], %swap3A_218 {strides = array<i32>} : memref<125x128xf32, #tpu.memory_space<vmem>>, vector<1x16xf32>,
        %get3A_219 = arith.index_cast %while3A_155 : i32 to index
        %get3A_220 = arith.constant 96 : index
        %get3A_221 = tpu.vector_load %arg12[%get3A_219, %get3A_220] {strides = array<i32>} : memref<125x128xf32, #tpu.memory_space<vmem>>, vector<1x16xf32>,
        %get3A_222 = vector.shape_cast %get3A_221 : vector<1x16xf32> to vector<16xf32>
        %mul3A_223 = arith.mulf %get3A_222, %get3A_159 : vector<16xf32>
        %swap3A_224 = arith.index_cast %while3A_155 : i32 to index
        %swap3A_225 = arith.constant 96 : index
        %swap3A_226 = tpu.vector_load %arg12[%swap3A_224, %swap3A_225] {strides = array<i32>} : memref<125x128xf32, #tpu.memory_space<vmem>>, vector<1x16xf32>,
        %swap3A_227 = vector.shape_cast %swap3A_226 : vector<1x16xf32> to vector<16xf32>
        %swap3A_228 = vector.shape_cast %mul3A_223 : vector<16xf32> to vector<1x16xf32>
        tpu.vector_store %arg12[%swap3A_224, %swap3A_225], %swap3A_228 {strides = array<i32>} : memref<125x128xf32, #tpu.memory_space<vmem>>, vector<1x16xf32>,
        %get3A_229 = arith.index_cast %while3A_155 : i32 to index
        %get3A_230 = arith.constant 112 : index
        %get3A_231 = tpu.vector_load %arg12[%get3A_229, %get3A_230] {strides = array<i32>} : memref<125x128xf32, #tpu.memory_space<vmem>>, vector<1x16xf32>,
        %get3A_232 = vector.shape_cast %get3A_231 : vector<1x16xf32> to vector<16xf32>
        %mul3A_233 = arith.mulf %get3A_232, %get3A_159 : vector<16xf32>
        %swap3A_234 = arith.index_cast %while3A_155 : i32 to index
        %swap3A_235 = arith.constant 112 : index
        %swap3A_236 = tpu.vector_load %arg12[%swap3A_234, %swap3A_235] {strides = array<i32>} : memref<125x128xf32, #tpu.memory_space<vmem>>, vector<1x16xf32>,
        %swap3A_237 = vector.shape_cast %swap3A_236 : vector<1x16xf32> to vector<16xf32>
        %swap3A_238 = vector.shape_cast %mul3A_233 : vector<16xf32> to vector<1x16xf32>
        tpu.vector_store %arg12[%swap3A_234, %swap3A_235], %swap3A_238 {strides = array<i32>} : memref<125x128xf32, #tpu.memory_space<vmem>>, vector<1x16xf32>,
      }
      %dma_wait3A_119 = arith.constant 0 : i32
      %dma_wait3A_120 = tpu.memref_slice %arg7[%add3A_89, %dma_wait3A_119] : memref<80x125xi32, #tpu.memory_space<vmem>> -> memref<1x125xi32, #tpu.memory_space<vmem>>
      %dma_wait3A_121 = tpu.memref_squeeze %dma_wait3A_120 : memref<1x125xi32, #tpu.memory_space<vmem>> -> memref<125xi32, #tpu.memory_space<vmem>>
      %dma_wait3A_122 = arith.constant 0 : i32
      %dma_wait3A_123 = arith.constant 0 : i32
      %dma_wait3A_124 = tpu.memref_slice %arg2[%dma_wait3A_122, %dma_wait3A_123] : memref<10000x128xf32, #tpu.memory_space<hbm>> -> memref<10000x128xf32, #tpu.memory_space<hbm>>
      tpu.wait_indirect_dma semaphore(%arg16 : memref<!tpu.dma_semaphore, #tpu.memory_space<semaphore_mem>>) src(%dma_wait3A_124 : memref<10000x128xf32, #tpu.memory_space<hbm>>) dst(%arg13 : memref<125x128xf32, #tpu.memory_space<vmem>>)
      %dma_wait3A_125 = arith.constant 0 : i32
      %dma_wait3A_126 = tpu.memref_slice %arg4[%add3A, %add3A_89, %dma_wait3A_125] : memref<32x80x125xi32, #tpu.memory_space<hbm>> -> memref<1x1x125xi32, #tpu.memory_space<hbm>>
      %dma_wait3A_127 = tpu.memref_squeeze %dma_wait3A_126 : memref<1x1x125xi32, #tpu.memory_space<hbm>> -> memref<125xi32, #tpu.memory_space<hbm>>
      %dma_wait3A_128 = arith.constant 0 : i32
      %dma_wait3A_129 = tpu.memref_slice %arg4[%add3A, %add3A_89, %dma_wait3A_128] : memref<32x80x125xi32, #tpu.memory_space<hbm>> -> memref<1x1x125xi32, #tpu.memory_space<hbm>>
      %dma_wait3A_130 = tpu.memref_squeeze %dma_wait3A_129 : memref<1x1x125xi32, #tpu.memory_space<hbm>> -> memref<125xi32, #tpu.memory_space<hbm>>
      tpu.wait_dma2 semaphore(%arg16 : memref<!tpu.dma_semaphore, #tpu.memory_space<semaphore_mem>>) src(%dma_wait3A_130 : memref<125xi32, #tpu.memory_space<hbm>>) dst(%arg9 : memref<125xi32, #tpu.memory_space<vmem>>)
      %dma_wait3A_131 = arith.constant 0 : i32
      %dma_wait3A_132 = tpu.memref_slice %arg5[%add3A, %add3A_89, %dma_wait3A_131] : memref<32x80x2000xf32, #tpu.memory_space<hbm>> -> memref<1x1x2000xf32, #tpu.memory_space<hbm>>
      %dma_wait3A_133 = tpu.memref_squeeze %dma_wait3A_132 : memref<1x1x2000xf32, #tpu.memory_space<hbm>> -> memref<2000xf32, #tpu.memory_space<hbm>>
      %dma_wait3A_134 = arith.constant 0 : i32
      %dma_wait3A_135 = tpu.memref_slice %arg5[%add3A, %add3A_89, %dma_wait3A_134] : memref<32x80x2000xf32, #tpu.memory_space<hbm>> -> memref<1x1x2000xf32, #tpu.memory_space<hbm>>
      %dma_wait3A_136 = tpu.memref_squeeze %dma_wait3A_135 : memref<1x1x2000xf32, #tpu.memory_space<hbm>> -> memref<2000xf32, #tpu.memory_space<hbm>>
      tpu.wait_dma2 semaphore(%arg16 : memref<!tpu.dma_semaphore, #tpu.memory_space<semaphore_mem>>) src(%dma_wait3A_136 : memref<2000xf32, #tpu.memory_space<hbm>>) dst(%arg11 : memref<2000xf32, #tpu.memory_space<vmem>>)
      "tpu.region"() ({
        %run_scoped3A = tpu.sem_alloc : memref<!tpu.dma_semaphore, #tpu.memory_space<semaphore_mem>>
        %dma_start3A_155 = arith.constant 0 : i32
        %dma_start3A_156 = arith.constant 0 : i32
        %dma_start3A_157 = tpu.memref_slice %arg14[%dma_start3A_155, %dma_start3A_156] : memref<10000x128xf32, #tpu.memory_space<vmem_shared>> -> memref<10000x128xf32, #tpu.memory_space<vmem_shared>>
        tpu.enqueue_indirect_dma source(%arg12 : memref<125x128xf32, #tpu.memory_space<vmem>>) target(%dma_start3A_157 : memref<10000x128xf32, #tpu.memory_space<vmem_shared>>) offsets(%arg8 : memref<125xi32, #tpu.memory_space<vmem>>) semaphore(%run_scoped3A : memref<!tpu.dma_semaphore, #tpu.memory_space<semaphore_mem>>) {add = true}
        %dma_wait3A_158 = arith.constant 0 : i32
        %dma_wait3A_159 = arith.constant 0 : i32
        %dma_wait3A_160 = tpu.memref_slice %arg14[%dma_wait3A_158, %dma_wait3A_159] : memref<10000x128xf32, #tpu.memory_space<vmem_shared>> -> memref<10000x128xf32, #tpu.memory_space<vmem_shared>>
        tpu.wait_indirect_dma semaphore(%run_scoped3A : memref<!tpu.dma_semaphore, #tpu.memory_space<semaphore_mem>>) src(%arg12 : memref<125x128xf32, #tpu.memory_space<vmem>>) dst(%dma_wait3A_160 : memref<10000x128xf32, #tpu.memory_space<vmem_shared>>)
        tpu.yield
      }) : () -> ()
      %lt3A = arith.constant 39 : i32
      %lt3A_137 = arith.cmpi slt, %while3A_85, %lt3A : i32
      %convert_element_type3A = arith.extui %lt3A_137 : i1 to i32
      %cond3A = arith.constant 0 : i32
      %cond3A_138 = arith.cmpi ne, %convert_element_type3A, %cond3A : i32
      scf.if %cond3A_138 {
        %add3A_155 = arith.constant 2 : i32
        %add3A_156 = arith.addi %mul3A_87, %add3A_155 : i32
        %dma_start3A_157 = arith.constant 0 : i32
        %dma_start3A_158 = tpu.memref_slice %arg7[%add3A_156, %dma_start3A_157] : memref<80x125xi32, #tpu.memory_space<vmem>> -> memref<1x125xi32, #tpu.memory_space<vmem>>
        %dma_start3A_159 = tpu.memref_squeeze %dma_start3A_158 : memref<1x125xi32, #tpu.memory_space<vmem>> -> memref<125xi32, #tpu.memory_space<vmem>>
        %dma_start3A_160 = arith.constant 0 : i32
        %dma_start3A_161 = arith.constant 0 : i32
        %dma_start3A_162 = tpu.memref_slice %arg2[%dma_start3A_160, %dma_start3A_161] : memref<10000x128xf32, #tpu.memory_space<hbm>> -> memref<10000x128xf32, #tpu.memory_space<hbm>>
        tpu.enqueue_indirect_dma source(%dma_start3A_162 : memref<10000x128xf32, #tpu.memory_space<hbm>>) target(%arg12 : memref<125x128xf32, #tpu.memory_space<vmem>>) offsets(%dma_start3A_159 : memref<125xi32, #tpu.memory_space<vmem>>) semaphore(%arg15 : memref<!tpu.dma_semaphore, #tpu.memory_space<semaphore_mem>>)
        %dma_start3A_163 = arith.constant 0 : i32
        %dma_start3A_164 = tpu.memref_slice %arg4[%add3A, %add3A_156, %dma_start3A_163] : memref<32x80x125xi32, #tpu.memory_space<hbm>> -> memref<1x1x125xi32, #tpu.memory_space<hbm>>
        %dma_start3A_165 = tpu.memref_squeeze %dma_start3A_164 : memref<1x1x125xi32, #tpu.memory_space<hbm>> -> memref<125xi32, #tpu.memory_space<hbm>>
        %dma_start3A_166 = arith.constant 0 : i32
        %dma_start3A_167 = tpu.memref_slice %arg4[%add3A, %add3A_156, %dma_start3A_166] : memref<32x80x125xi32, #tpu.memory_space<hbm>> -> memref<1x1x125xi32, #tpu.memory_space<hbm>>
        %dma_start3A_168 = tpu.memref_squeeze %dma_start3A_167 : memref<1x1x125xi32, #tpu.memory_space<hbm>> -> memref<125xi32, #tpu.memory_space<hbm>>
        tpu.enqueue_dma source(%dma_start3A_168 : memref<125xi32, #tpu.memory_space<hbm>>) target(%arg8 : memref<125xi32, #tpu.memory_space<vmem>>) target_semaphore(%arg15 : memref<!tpu.dma_semaphore, #tpu.memory_space<semaphore_mem>>)
        %dma_start3A_169 = arith.constant 0 : i32
        %dma_start3A_170 = tpu.memref_slice %arg5[%add3A, %add3A_156, %dma_start3A_169] : memref<32x80x2000xf32, #tpu.memory_space<hbm>> -> memref<1x1x2000xf32, #tpu.memory_space<hbm>>
        %dma_start3A_171 = tpu.memref_squeeze %dma_start3A_170 : memref<1x1x2000xf32, #tpu.memory_space<hbm>> -> memref<2000xf32, #tpu.memory_space<hbm>>
        %dma_start3A_172 = arith.constant 0 : i32
        %dma_start3A_173 = tpu.memref_slice %arg5[%add3A, %add3A_156, %dma_start3A_172] : memref<32x80x2000xf32, #tpu.memory_space<hbm>> -> memref<1x1x2000xf32, #tpu.memory_space<hbm>>
        %dma_start3A_174 = tpu.memref_squeeze %dma_start3A_173 : memref<1x1x2000xf32, #tpu.memory_space<hbm>> -> memref<2000xf32, #tpu.memory_space<hbm>>
        tpu.enqueue_dma source(%dma_start3A_174 : memref<2000xf32, #tpu.memory_space<hbm>>) target(%arg10 : memref<2000xf32, #tpu.memory_space<vmem>>) target_semaphore(%arg15 : memref<!tpu.dma_semaphore, #tpu.memory_space<semaphore_mem>>)
      } else {
      }
      %while3A_139 = arith.constant 0 : i32
      %while3A_140 = arith.constant 0 : i32
      %while3A_141 = arith.constant 125 : i32
      %while3A_142 = arith.subi %while3A_141, %while3A_140 : i32
      %while3A_143 = arith.addi %while3A_140, %while3A_142 : i32
      %while3A_144 = arith.constant 1 : i32
      %while3A_145 = arith.divsi %while3A_142, %while3A_144 : i32
      %while3A_146 = arith.muli %while3A_145, %while3A_144 : i32
      %while3A_147 = arith.addi %while3A_140, %while3A_146 : i32
      %while3A_148 = arith.constant 1 : i32
      scf.for %while3A_155 = %while3A_140 to %while3A_147 step %while3A_148  : i32 {
        %mul3A_156 = arith.constant 16 : i32
        %mul3A_157 = arith.muli %while3A_155, %mul3A_156 : i32
        %multiple_of3A = tpu.assume_multiple %mul3A_157, 16 : i32
        %get3A = arith.index_cast %multiple_of3A : i32 to index
        %get3A_158 = tpu.vector_load %arg11[%get3A] {strides = array<i32>} : memref<2000xf32, #tpu.memory_space<vmem>>, vector<16xf32>,
        %get3A_159 = vector.shape_cast %get3A_158 : vector<16xf32> to vector<16xf32>
        %get3A_160 = arith.index_cast %while3A_155 : i32 to index
        %get3A_161 = arith.constant 0 : index
        %get3A_162 = tpu.vector_load %arg13[%get3A_160, %get3A_161] {strides = array<i32>} : memref<125x128xf32, #tpu.memory_space<vmem>>, vector<1x16xf32>,
        %get3A_163 = vector.shape_cast %get3A_162 : vector<1x16xf32> to vector<16xf32>
        %mul3A_164 = arith.mulf %get3A_163, %get3A_159 : vector<16xf32>
        %swap3A = arith.index_cast %while3A_155 : i32 to index
        %swap3A_165 = arith.constant 0 : index
        %swap3A_166 = tpu.vector_load %arg13[%swap3A, %swap3A_165] {strides = array<i32>} : memref<125x128xf32, #tpu.memory_space<vmem>>, vector<1x16xf32>,
        %swap3A_167 = vector.shape_cast %swap3A_166 : vector<1x16xf32> to vector<16xf32>
        %swap3A_168 = vector.shape_cast %mul3A_164 : vector<16xf32> to vector<1x16xf32>
        tpu.vector_store %arg13[%swap3A, %swap3A_165], %swap3A_168 {strides = array<i32>} : memref<125x128xf32, #tpu.memory_space<vmem>>, vector<1x16xf32>,
        %get3A_169 = arith.index_cast %while3A_155 : i32 to index
        %get3A_170 = arith.constant 16 : index
        %get3A_171 = tpu.vector_load %arg13[%get3A_169, %get3A_170] {strides = array<i32>} : memref<125x128xf32, #tpu.memory_space<vmem>>, vector<1x16xf32>,
        %get3A_172 = vector.shape_cast %get3A_171 : vector<1x16xf32> to vector<16xf32>
        %mul3A_173 = arith.mulf %get3A_172, %get3A_159 : vector<16xf32>
        %swap3A_174 = arith.index_cast %while3A_155 : i32 to index
        %swap3A_175 = arith.constant 16 : index
        %swap3A_176 = tpu.vector_load %arg13[%swap3A_174, %swap3A_175] {strides = array<i32>} : memref<125x128xf32, #tpu.memory_space<vmem>>, vector<1x16xf32>,
        %swap3A_177 = vector.shape_cast %swap3A_176 : vector<1x16xf32> to vector<16xf32>
        %swap3A_178 = vector.shape_cast %mul3A_173 : vector<16xf32> to vector<1x16xf32>
        tpu.vector_store %arg13[%swap3A_174, %swap3A_175], %swap3A_178 {strides = array<i32>} : memref<125x128xf32, #tpu.memory_space<vmem>>, vector<1x16xf32>,
        %get3A_179 = arith.index_cast %while3A_155 : i32 to index
        %get3A_180 = arith.constant 32 : index
        %get3A_181 = tpu.vector_load %arg13[%get3A_179, %get3A_180] {strides = array<i32>} : memref<125x128xf32, #tpu.memory_space<vmem>>, vector<1x16xf32>,
        %get3A_182 = vector.shape_cast %get3A_181 : vector<1x16xf32> to vector<16xf32>
        %mul3A_183 = arith.mulf %get3A_182, %get3A_159 : vector<16xf32>
        %swap3A_184 = arith.index_cast %while3A_155 : i32 to index
        %swap3A_185 = arith.constant 32 : index
        %swap3A_186 = tpu.vector_load %arg13[%swap3A_184, %swap3A_185] {strides = array<i32>} : memref<125x128xf32, #tpu.memory_space<vmem>>, vector<1x16xf32>,
        %swap3A_187 = vector.shape_cast %swap3A_186 : vector<1x16xf32> to vector<16xf32>
        %swap3A_188 = vector.shape_cast %mul3A_183 : vector<16xf32> to vector<1x16xf32>
        tpu.vector_store %arg13[%swap3A_184, %swap3A_185], %swap3A_188 {strides = array<i32>} : memref<125x128xf32, #tpu.memory_space<vmem>>, vector<1x16xf32>,
        %get3A_189 = arith.index_cast %while3A_155 : i32 to index
        %get3A_190 = arith.constant 48 : index
        %get3A_191 = tpu.vector_load %arg13[%get3A_189, %get3A_190] {strides = array<i32>} : memref<125x128xf32, #tpu.memory_space<vmem>>, vector<1x16xf32>,
        %get3A_192 = vector.shape_cast %get3A_191 : vector<1x16xf32> to vector<16xf32>
        %mul3A_193 = arith.mulf %get3A_192, %get3A_159 : vector<16xf32>
        %swap3A_194 = arith.index_cast %while3A_155 : i32 to index
        %swap3A_195 = arith.constant 48 : index
        %swap3A_196 = tpu.vector_load %arg13[%swap3A_194, %swap3A_195] {strides = array<i32>} : memref<125x128xf32, #tpu.memory_space<vmem>>, vector<1x16xf32>,
        %swap3A_197 = vector.shape_cast %swap3A_196 : vector<1x16xf32> to vector<16xf32>
        %swap3A_198 = vector.shape_cast %mul3A_193 : vector<16xf32> to vector<1x16xf32>
        tpu.vector_store %arg13[%swap3A_194, %swap3A_195], %swap3A_198 {strides = array<i32>} : memref<125x128xf32, #tpu.memory_space<vmem>>, vector<1x16xf32>,
        %get3A_199 = arith.index_cast %while3A_155 : i32 to index
        %get3A_200 = arith.constant 64 : index
        %get3A_201 = tpu.vector_load %arg13[%get3A_199, %get3A_200] {strides = array<i32>} : memref<125x128xf32, #tpu.memory_space<vmem>>, vector<1x16xf32>,
        %get3A_202 = vector.shape_cast %get3A_201 : vector<1x16xf32> to vector<16xf32>
        %mul3A_203 = arith.mulf %get3A_202, %get3A_159 : vector<16xf32>
        %swap3A_204 = arith.index_cast %while3A_155 : i32 to index
        %swap3A_205 = arith.constant 64 : index
        %swap3A_206 = tpu.vector_load %arg13[%swap3A_204, %swap3A_205] {strides = array<i32>} : memref<125x128xf32, #tpu.memory_space<vmem>>, vector<1x16xf32>,
        %swap3A_207 = vector.shape_cast %swap3A_206 : vector<1x16xf32> to vector<16xf32>
        %swap3A_208 = vector.shape_cast %mul3A_203 : vector<16xf32> to vector<1x16xf32>
        tpu.vector_store %arg13[%swap3A_204, %swap3A_205], %swap3A_208 {strides = array<i32>} : memref<125x128xf32, #tpu.memory_space<vmem>>, vector<1x16xf32>,
        %get3A_209 = arith.index_cast %while3A_155 : i32 to index
        %get3A_210 = arith.constant 80 : index
        %get3A_211 = tpu.vector_load %arg13[%get3A_209, %get3A_210] {strides = array<i32>} : memref<125x128xf32, #tpu.memory_space<vmem>>, vector<1x16xf32>,
        %get3A_212 = vector.shape_cast %get3A_211 : vector<1x16xf32> to vector<16xf32>
        %mul3A_213 = arith.mulf %get3A_212, %get3A_159 : vector<16xf32>
        %swap3A_214 = arith.index_cast %while3A_155 : i32 to index
        %swap3A_215 = arith.constant 80 : index
        %swap3A_216 = tpu.vector_load %arg13[%swap3A_214, %swap3A_215] {strides = array<i32>} : memref<125x128xf32, #tpu.memory_space<vmem>>, vector<1x16xf32>,
        %swap3A_217 = vector.shape_cast %swap3A_216 : vector<1x16xf32> to vector<16xf32>
        %swap3A_218 = vector.shape_cast %mul3A_213 : vector<16xf32> to vector<1x16xf32>
        tpu.vector_store %arg13[%swap3A_214, %swap3A_215], %swap3A_218 {strides = array<i32>} : memref<125x128xf32, #tpu.memory_space<vmem>>, vector<1x16xf32>,
        %get3A_219 = arith.index_cast %while3A_155 : i32 to index
        %get3A_220 = arith.constant 96 : index
        %get3A_221 = tpu.vector_load %arg13[%get3A_219, %get3A_220] {strides = array<i32>} : memref<125x128xf32, #tpu.memory_space<vmem>>, vector<1x16xf32>,
        %get3A_222 = vector.shape_cast %get3A_221 : vector<1x16xf32> to vector<16xf32>
        %mul3A_223 = arith.mulf %get3A_222, %get3A_159 : vector<16xf32>
        %swap3A_224 = arith.index_cast %while3A_155 : i32 to index
        %swap3A_225 = arith.constant 96 : index
        %swap3A_226 = tpu.vector_load %arg13[%swap3A_224, %swap3A_225] {strides = array<i32>} : memref<125x128xf32, #tpu.memory_space<vmem>>, vector<1x16xf32>,
        %swap3A_227 = vector.shape_cast %swap3A_226 : vector<1x16xf32> to vector<16xf32>
        %swap3A_228 = vector.shape_cast %mul3A_223 : vector<16xf32> to vector<1x16xf32>
        tpu.vector_store %arg13[%swap3A_224, %swap3A_225], %swap3A_228 {strides = array<i32>} : memref<125x128xf32, #tpu.memory_space<vmem>>, vector<1x16xf32>,
        %get3A_229 = arith.index_cast %while3A_155 : i32 to index
        %get3A_230 = arith.constant 112 : index
        %get3A_231 = tpu.vector_load %arg13[%get3A_229, %get3A_230] {strides = array<i32>} : memref<125x128xf32, #tpu.memory_space<vmem>>, vector<1x16xf32>,
        %get3A_232 = vector.shape_cast %get3A_231 : vector<1x16xf32> to vector<16xf32>
        %mul3A_233 = arith.mulf %get3A_232, %get3A_159 : vector<16xf32>
        %swap3A_234 = arith.index_cast %while3A_155 : i32 to index
        %swap3A_235 = arith.constant 112 : index
        %swap3A_236 = tpu.vector_load %arg13[%swap3A_234, %swap3A_235] {strides = array<i32>} : memref<125x128xf32, #tpu.memory_space<vmem>>, vector<1x16xf32>,
        %swap3A_237 = vector.shape_cast %swap3A_236 : vector<1x16xf32> to vector<16xf32>
        %swap3A_238 = vector.shape_cast %mul3A_233 : vector<16xf32> to vector<1x16xf32>
        tpu.vector_store %arg13[%swap3A_234, %swap3A_235], %swap3A_238 {strides = array<i32>} : memref<125x128xf32, #tpu.memory_space<vmem>>, vector<1x16xf32>,
      }
      %while3A_149 = arith.constant 1 : i32
      scf.for %while3A_155 = %while3A_147 to %while3A_143 step %while3A_149  : i32 {
        %mul3A_156 = arith.constant 16 : i32
        %mul3A_157 = arith.muli %while3A_155, %mul3A_156 : i32
        %multiple_of3A = tpu.assume_multiple %mul3A_157, 16 : i32
        %get3A = arith.index_cast %multiple_of3A : i32 to index
        %get3A_158 = tpu.vector_load %arg11[%get3A] {strides = array<i32>} : memref<2000xf32, #tpu.memory_space<vmem>>, vector<16xf32>,
        %get3A_159 = vector.shape_cast %get3A_158 : vector<16xf32> to vector<16xf32>
        %get3A_160 = arith.index_cast %while3A_155 : i32 to index
        %get3A_161 = arith.constant 0 : index
        %get3A_162 = tpu.vector_load %arg13[%get3A_160, %get3A_161] {strides = array<i32>} : memref<125x128xf32, #tpu.memory_space<vmem>>, vector<1x16xf32>,
        %get3A_163 = vector.shape_cast %get3A_162 : vector<1x16xf32> to vector<16xf32>
        %mul3A_164 = arith.mulf %get3A_163, %get3A_159 : vector<16xf32>
        %swap3A = arith.index_cast %while3A_155 : i32 to index
        %swap3A_165 = arith.constant 0 : index
        %swap3A_166 = tpu.vector_load %arg13[%swap3A, %swap3A_165] {strides = array<i32>} : memref<125x128xf32, #tpu.memory_space<vmem>>, vector<1x16xf32>,
        %swap3A_167 = vector.shape_cast %swap3A_166 : vector<1x16xf32> to vector<16xf32>
        %swap3A_168 = vector.shape_cast %mul3A_164 : vector<16xf32> to vector<1x16xf32>
        tpu.vector_store %arg13[%swap3A, %swap3A_165], %swap3A_168 {strides = array<i32>} : memref<125x128xf32, #tpu.memory_space<vmem>>, vector<1x16xf32>,
        %get3A_169 = arith.index_cast %while3A_155 : i32 to index
        %get3A_170 = arith.constant 16 : index
        %get3A_171 = tpu.vector_load %arg13[%get3A_169, %get3A_170] {strides = array<i32>} : memref<125x128xf32, #tpu.memory_space<vmem>>, vector<1x16xf32>,
        %get3A_172 = vector.shape_cast %get3A_171 : vector<1x16xf32> to vector<16xf32>
        %mul3A_173 = arith.mulf %get3A_172, %get3A_159 : vector<16xf32>
        %swap3A_174 = arith.index_cast %while3A_155 : i32 to index
        %swap3A_175 = arith.constant 16 : index
        %swap3A_176 = tpu.vector_load %arg13[%swap3A_174, %swap3A_175] {strides = array<i32>} : memref<125x128xf32, #tpu.memory_space<vmem>>, vector<1x16xf32>,
        %swap3A_177 = vector.shape_cast %swap3A_176 : vector<1x16xf32> to vector<16xf32>
        %swap3A_178 = vector.shape_cast %mul3A_173 : vector<16xf32> to vector<1x16xf32>
        tpu.vector_store %arg13[%swap3A_174, %swap3A_175], %swap3A_178 {strides = array<i32>} : memref<125x128xf32, #tpu.memory_space<vmem>>, vector<1x16xf32>,
        %get3A_179 = arith.index_cast %while3A_155 : i32 to index
        %get3A_180 = arith.constant 32 : index
        %get3A_181 = tpu.vector_load %arg13[%get3A_179, %get3A_180] {strides = array<i32>} : memref<125x128xf32, #tpu.memory_space<vmem>>, vector<1x16xf32>,
        %get3A_182 = vector.shape_cast %get3A_181 : vector<1x16xf32> to vector<16xf32>
        %mul3A_183 = arith.mulf %get3A_182, %get3A_159 : vector<16xf32>
        %swap3A_184 = arith.index_cast %while3A_155 : i32 to index
        %swap3A_185 = arith.constant 32 : index
        %swap3A_186 = tpu.vector_load %arg13[%swap3A_184, %swap3A_185] {strides = array<i32>} : memref<125x128xf32, #tpu.memory_space<vmem>>, vector<1x16xf32>,
        %swap3A_187 = vector.shape_cast %swap3A_186 : vector<1x16xf32> to vector<16xf32>
        %swap3A_188 = vector.shape_cast %mul3A_183 : vector<16xf32> to vector<1x16xf32>
        tpu.vector_store %arg13[%swap3A_184, %swap3A_185], %swap3A_188 {strides = array<i32>} : memref<125x128xf32, #tpu.memory_space<vmem>>, vector<1x16xf32>,
        %get3A_189 = arith.index_cast %while3A_155 : i32 to index
        %get3A_190 = arith.constant 48 : index
        %get3A_191 = tpu.vector_load %arg13[%get3A_189, %get3A_190] {strides = array<i32>} : memref<125x128xf32, #tpu.memory_space<vmem>>, vector<1x16xf32>,
        %get3A_192 = vector.shape_cast %get3A_191 : vector<1x16xf32> to vector<16xf32>
        %mul3A_193 = arith.mulf %get3A_192, %get3A_159 : vector<16xf32>
        %swap3A_194 = arith.index_cast %while3A_155 : i32 to index
        %swap3A_195 = arith.constant 48 : index
        %swap3A_196 = tpu.vector_load %arg13[%swap3A_194, %swap3A_195] {strides = array<i32>} : memref<125x128xf32, #tpu.memory_space<vmem>>, vector<1x16xf32>,
        %swap3A_197 = vector.shape_cast %swap3A_196 : vector<1x16xf32> to vector<16xf32>
        %swap3A_198 = vector.shape_cast %mul3A_193 : vector<16xf32> to vector<1x16xf32>
        tpu.vector_store %arg13[%swap3A_194, %swap3A_195], %swap3A_198 {strides = array<i32>} : memref<125x128xf32, #tpu.memory_space<vmem>>, vector<1x16xf32>,
        %get3A_199 = arith.index_cast %while3A_155 : i32 to index
        %get3A_200 = arith.constant 64 : index
        %get3A_201 = tpu.vector_load %arg13[%get3A_199, %get3A_200] {strides = array<i32>} : memref<125x128xf32, #tpu.memory_space<vmem>>, vector<1x16xf32>,
        %get3A_202 = vector.shape_cast %get3A_201 : vector<1x16xf32> to vector<16xf32>
        %mul3A_203 = arith.mulf %get3A_202, %get3A_159 : vector<16xf32>
        %swap3A_204 = arith.index_cast %while3A_155 : i32 to index
        %swap3A_205 = arith.constant 64 : index
        %swap3A_206 = tpu.vector_load %arg13[%swap3A_204, %swap3A_205] {strides = array<i32>} : memref<125x128xf32, #tpu.memory_space<vmem>>, vector<1x16xf32>,
        %swap3A_207 = vector.shape_cast %swap3A_206 : vector<1x16xf32> to vector<16xf32>
        %swap3A_208 = vector.shape_cast %mul3A_203 : vector<16xf32> to vector<1x16xf32>
        tpu.vector_store %arg13[%swap3A_204, %swap3A_205], %swap3A_208 {strides = array<i32>} : memref<125x128xf32, #tpu.memory_space<vmem>>, vector<1x16xf32>,
        %get3A_209 = arith.index_cast %while3A_155 : i32 to index
        %get3A_210 = arith.constant 80 : index
        %get3A_211 = tpu.vector_load %arg13[%get3A_209, %get3A_210] {strides = array<i32>} : memref<125x128xf32, #tpu.memory_space<vmem>>, vector<1x16xf32>,
        %get3A_212 = vector.shape_cast %get3A_211 : vector<1x16xf32> to vector<16xf32>
        %mul3A_213 = arith.mulf %get3A_212, %get3A_159 : vector<16xf32>
        %swap3A_214 = arith.index_cast %while3A_155 : i32 to index
        %swap3A_215 = arith.constant 80 : index
        %swap3A_216 = tpu.vector_load %arg13[%swap3A_214, %swap3A_215] {strides = array<i32>} : memref<125x128xf32, #tpu.memory_space<vmem>>, vector<1x16xf32>,
        %swap3A_217 = vector.shape_cast %swap3A_216 : vector<1x16xf32> to vector<16xf32>
        %swap3A_218 = vector.shape_cast %mul3A_213 : vector<16xf32> to vector<1x16xf32>
        tpu.vector_store %arg13[%swap3A_214, %swap3A_215], %swap3A_218 {strides = array<i32>} : memref<125x128xf32, #tpu.memory_space<vmem>>, vector<1x16xf32>,
        %get3A_219 = arith.index_cast %while3A_155 : i32 to index
        %get3A_220 = arith.constant 96 : index
        %get3A_221 = tpu.vector_load %arg13[%get3A_219, %get3A_220] {strides = array<i32>} : memref<125x128xf32, #tpu.memory_space<vmem>>, vector<1x16xf32>,
        %get3A_222 = vector.shape_cast %get3A_221 : vector<1x16xf32> to vector<16xf32>
        %mul3A_223 = arith.mulf %get3A_222, %get3A_159 : vector<16xf32>
        %swap3A_224 = arith.index_cast %while3A_155 : i32 to index
        %swap3A_225 = arith.constant 96 : index
        %swap3A_226 = tpu.vector_load %arg13[%swap3A_224, %swap3A_225] {strides = array<i32>} : memref<125x128xf32, #tpu.memory_space<vmem>>, vector<1x16xf32>,
        %swap3A_227 = vector.shape_cast %swap3A_226 : vector<1x16xf32> to vector<16xf32>
        %swap3A_228 = vector.shape_cast %mul3A_223 : vector<16xf32> to vector<1x16xf32>
        tpu.vector_store %arg13[%swap3A_224, %swap3A_225], %swap3A_228 {strides = array<i32>} : memref<125x128xf32, #tpu.memory_space<vmem>>, vector<1x16xf32>,
        %get3A_229 = arith.index_cast %while3A_155 : i32 to index
        %get3A_230 = arith.constant 112 : index
        %get3A_231 = tpu.vector_load %arg13[%get3A_229, %get3A_230] {strides = array<i32>} : memref<125x128xf32, #tpu.memory_space<vmem>>, vector<1x16xf32>,
        %get3A_232 = vector.shape_cast %get3A_231 : vector<1x16xf32> to vector<16xf32>
        %mul3A_233 = arith.mulf %get3A_232, %get3A_159 : vector<16xf32>
        %swap3A_234 = arith.index_cast %while3A_155 : i32 to index
        %swap3A_235 = arith.constant 112 : index
        %swap3A_236 = tpu.vector_load %arg13[%swap3A_234, %swap3A_235] {strides = array<i32>} : memref<125x128xf32, #tpu.memory_space<vmem>>, vector<1x16xf32>,
        %swap3A_237 = vector.shape_cast %swap3A_236 : vector<1x16xf32> to vector<16xf32>
        %swap3A_238 = vector.shape_cast %mul3A_233 : vector<16xf32> to vector<1x16xf32>
        tpu.vector_store %arg13[%swap3A_234, %swap3A_235], %swap3A_238 {strides = array<i32>} : memref<125x128xf32, #tpu.memory_space<vmem>>, vector<1x16xf32>,
      }
      %lt3A_150 = arith.constant 39 : i32
      %lt3A_151 = arith.cmpi slt, %while3A_85, %lt3A_150 : i32
      %convert_element_type3A_152 = arith.extui %lt3A_151 : i1 to i32
      %cond3A_153 = arith.constant 0 : i32
      %cond3A_154 = arith.cmpi ne, %convert_element_type3A_152, %cond3A_153 : i32
      scf.if %cond3A_154 {
        %add3A_155 = arith.constant 2 : i32
        %add3A_156 = arith.addi %mul3A_87, %add3A_155 : i32
        %dma_wait3A_157 = arith.constant 0 : i32
        %dma_wait3A_158 = tpu.memref_slice %arg7[%add3A_156, %dma_wait3A_157] : memref<80x125xi32, #tpu.memory_space<vmem>> -> memref<1x125xi32, #tpu.memory_space<vmem>>
        %dma_wait3A_159 = tpu.memref_squeeze %dma_wait3A_158 : memref<1x125xi32, #tpu.memory_space<vmem>> -> memref<125xi32, #tpu.memory_space<vmem>>
        %dma_wait3A_160 = arith.constant 0 : i32
        %dma_wait3A_161 = arith.constant 0 : i32
        %dma_wait3A_162 = tpu.memref_slice %arg2[%dma_wait3A_160, %dma_wait3A_161] : memref<10000x128xf32, #tpu.memory_space<hbm>> -> memref<10000x128xf32, #tpu.memory_space<hbm>>
        tpu.wait_indirect_dma semaphore(%arg15 : memref<!tpu.dma_semaphore, #tpu.memory_space<semaphore_mem>>) src(%dma_wait3A_162 : memref<10000x128xf32, #tpu.memory_space<hbm>>) dst(%arg12 : memref<125x128xf32, #tpu.memory_space<vmem>>)
        %dma_wait3A_163 = arith.constant 0 : i32
        %dma_wait3A_164 = tpu.memref_slice %arg4[%add3A, %add3A_156, %dma_wait3A_163] : memref<32x80x125xi32, #tpu.memory_space<hbm>> -> memref<1x1x125xi32, #tpu.memory_space<hbm>>
        %dma_wait3A_165 = tpu.memref_squeeze %dma_wait3A_164 : memref<1x1x125xi32, #tpu.memory_space<hbm>> -> memref<125xi32, #tpu.memory_space<hbm>>
        %dma_wait3A_166 = arith.constant 0 : i32
        %dma_wait3A_167 = tpu.memref_slice %arg4[%add3A, %add3A_156, %dma_wait3A_166] : memref<32x80x125xi32, #tpu.memory_space<hbm>> -> memref<1x1x125xi32, #tpu.memory_space<hbm>>
        %dma_wait3A_168 = tpu.memref_squeeze %dma_wait3A_167 : memref<1x1x125xi32, #tpu.memory_space<hbm>> -> memref<125xi32, #tpu.memory_space<hbm>>
        tpu.wait_dma2 semaphore(%arg15 : memref<!tpu.dma_semaphore, #tpu.memory_space<semaphore_mem>>) src(%dma_wait3A_168 : memref<125xi32, #tpu.memory_space<hbm>>) dst(%arg8 : memref<125xi32, #tpu.memory_space<vmem>>)
        %dma_wait3A_169 = arith.constant 0 : i32
        %dma_wait3A_170 = tpu.memref_slice %arg5[%add3A, %add3A_156, %dma_wait3A_169] : memref<32x80x2000xf32, #tpu.memory_space<hbm>> -> memref<1x1x2000xf32, #tpu.memory_space<hbm>>
        %dma_wait3A_171 = tpu.memref_squeeze %dma_wait3A_170 : memref<1x1x2000xf32, #tpu.memory_space<hbm>> -> memref<2000xf32, #tpu.memory_space<hbm>>
        %dma_wait3A_172 = arith.constant 0 : i32
        %dma_wait3A_173 = tpu.memref_slice %arg5[%add3A, %add3A_156, %dma_wait3A_172] : memref<32x80x2000xf32, #tpu.memory_space<hbm>> -> memref<1x1x2000xf32, #tpu.memory_space<hbm>>
        %dma_wait3A_174 = tpu.memref_squeeze %dma_wait3A_173 : memref<1x1x2000xf32, #tpu.memory_space<hbm>> -> memref<2000xf32, #tpu.memory_space<hbm>>
        tpu.wait_dma2 semaphore(%arg15 : memref<!tpu.dma_semaphore, #tpu.memory_space<semaphore_mem>>) src(%dma_wait3A_174 : memref<2000xf32, #tpu.memory_space<hbm>>) dst(%arg10 : memref<2000xf32, #tpu.memory_space<vmem>>)
      } else {
      }
      "tpu.region"() ({
        %run_scoped3A = tpu.sem_alloc : memref<!tpu.dma_semaphore, #tpu.memory_space<semaphore_mem>>
        %dma_start3A_155 = arith.constant 0 : i32
        %dma_start3A_156 = arith.constant 0 : i32
        %dma_start3A_157 = tpu.memref_slice %arg14[%dma_start3A_155, %dma_start3A_156] : memref<10000x128xf32, #tpu.memory_space<vmem_shared>> -> memref<10000x128xf32, #tpu.memory_space<vmem_shared>>
        tpu.enqueue_indirect_dma source(%arg13 : memref<125x128xf32, #tpu.memory_space<vmem>>) target(%dma_start3A_157 : memref<10000x128xf32, #tpu.memory_space<vmem_shared>>) offsets(%arg9 : memref<125xi32, #tpu.memory_space<vmem>>) semaphore(%run_scoped3A : memref<!tpu.dma_semaphore, #tpu.memory_space<semaphore_mem>>) {add = true}
        %dma_wait3A_158 = arith.constant 0 : i32
        %dma_wait3A_159 = arith.constant 0 : i32
        %dma_wait3A_160 = tpu.memref_slice %arg14[%dma_wait3A_158, %dma_wait3A_159] : memref<10000x128xf32, #tpu.memory_space<vmem_shared>> -> memref<10000x128xf32, #tpu.memory_space<vmem_shared>>
        tpu.wait_indirect_dma semaphore(%run_scoped3A : memref<!tpu.dma_semaphore, #tpu.memory_space<semaphore_mem>>) src(%arg13 : memref<125x128xf32, #tpu.memory_space<vmem>>) dst(%dma_wait3A_160 : memref<10000x128xf32, #tpu.memory_space<vmem_shared>>)
        tpu.yield
      }) : () -> ()
    }
    %barrier3A_82 = arith.constant 0 : index
    tpu.barrier barrier_id(%barrier3A_82)
    %mul3A_83 = arith.constant 625 : i32
    %mul3A_84 = arith.muli %arg1, %mul3A_83 : i32
    "tpu.region"() ({
      %run_scoped3A = tpu.sem_alloc : memref<!tpu.dma_semaphore, #tpu.memory_space<semaphore_mem>>
      %dma_start3A_85 = arith.constant 0 : i32
      %dma_start3A_86 = arith.constant 0 : i32
      %dma_start3A_87 = tpu.memref_slice %arg6[%add3A, %dma_start3A_85, %dma_start3A_86] : memref<32x625x128xf32, #tpu.memory_space<hbm>> -> memref<1x625x128xf32, #tpu.memory_space<hbm>>
      %dma_start3A_88 = tpu.memref_squeeze %dma_start3A_87 : memref<1x625x128xf32, #tpu.memory_space<hbm>> -> memref<625x128xf32, #tpu.memory_space<hbm>>
      %dma_start3A_89 = arith.constant 0 : i32
      %dma_start3A_90 = tpu.memref_slice %arg14[%mul3A_84, %dma_start3A_89] : memref<10000x128xf32, #tpu.memory_space<vmem_shared>> -> memref<625x128xf32, #tpu.memory_space<vmem_shared>>
      tpu.enqueue_dma source(%dma_start3A_90 : memref<625x128xf32, #tpu.memory_space<vmem_shared>>) target(%dma_start3A_88 : memref<625x128xf32, #tpu.memory_space<hbm>>) target_semaphore(%run_scoped3A : memref<!tpu.dma_semaphore, #tpu.memory_space<semaphore_mem>>)
      %dma_wait3A_91 = arith.constant 0 : i32
      %dma_wait3A_92 = arith.constant 0 : i32
      %dma_wait3A_93 = tpu.memref_slice %arg6[%add3A, %dma_wait3A_91, %dma_wait3A_92] : memref<32x625x128xf32, #tpu.memory_space<hbm>> -> memref<1x625x128xf32, #tpu.memory_space<hbm>>
      %dma_wait3A_94 = tpu.memref_squeeze %dma_wait3A_93 : memref<1x625x128xf32, #tpu.memory_space<hbm>> -> memref<625x128xf32, #tpu.memory_space<hbm>>
      %dma_wait3A_95 = arith.constant 0 : i32
      %dma_wait3A_96 = tpu.memref_slice %arg14[%mul3A_84, %dma_wait3A_95] : memref<10000x128xf32, #tpu.memory_space<vmem_shared>> -> memref<625x128xf32, #tpu.memory_space<vmem_shared>>
      tpu.wait_dma2 semaphore(%run_scoped3A : memref<!tpu.dma_semaphore, #tpu.memory_space<semaphore_mem>>) src(%dma_wait3A_96 : memref<625x128xf32, #tpu.memory_space<vmem_shared>>) dst(%dma_wait3A_94 : memref<625x128xf32, #tpu.memory_space<hbm>>)
      tpu.yield
    }) : () -> ()
    return
  }
}

module attributes {stable_mosaic.version = 14 : i64} {
  func.func @edge_min(%arg0: i32, %arg1: memref<1000x128xf32, #tpu.memory_space<vmem>>, %arg2: memref<1x128xf32, #tpu.memory_space<vmem>>, %arg3: memref<1x128xf32, #tpu.memory_space<vmem>>) attributes {dimension_semantics = [#tpu.dimension_semantics<arbitrary>], iteration_bounds = array<i64: 10>, scalar_prefetch = 0 : i64, scratch_operands = 1 : i64, tpu.core_type = #tpu.core_type<tc>, window_params = [{transform_indices = @transform_0, window_bounds = array<i64: 1000, 128>}, {pipeline_mode = #tpu.pipeline_mode<synchronous>, transform_indices = @transform_1, window_bounds = array<i64: 1, 128>}]} {
    %eq3A = arith.constant 0 : i32
    %eq3A_0 = arith.cmpi eq, %arg0, %eq3A : i32
    %convert_element_type3A = arith.extui %eq3A_0 : i1 to i32
    %cond3A = arith.constant 0 : i32
    %cond3A_1 = arith.cmpi ne, %convert_element_type3A, %cond3A : i32
    scf.if %cond3A_1 {
      %broadcast_in_dim3A_16 = arith.constant 0x7F800000 : f32
      %broadcast_in_dim3A_17 = vector.broadcast %broadcast_in_dim3A_16 : f32 to vector<1x128xf32>
      %swap3A_18 = arith.constant 0 : index
      %swap3A_19 = arith.constant 0 : index
      %swap3A_20 = vector.load %arg3[%swap3A_18, %swap3A_19] : memref<1x128xf32, #tpu.memory_space<vmem>>, vector<1x128xf32>
      tpu.vector_store %arg3[%swap3A_18, %swap3A_19], %broadcast_in_dim3A_17 {strides = array<i32>} : memref<1x128xf32, #tpu.memory_space<vmem>>, vector<1x128xf32>,
    } else {
    }
    %get3A = arith.constant 0 : index
    %get3A_2 = arith.constant 0 : index
    %get3A_3 = vector.load %arg3[%get3A, %get3A_2] : memref<1x128xf32, #tpu.memory_space<vmem>>, vector<1x128xf32>
    %get3A_4 = arith.constant 0 : index
    %get3A_5 = arith.constant 0 : index
    %get3A_6 = vector.load %arg1[%get3A_4, %get3A_5] : memref<1000x128xf32, #tpu.memory_space<vmem>>, vector<1000x128xf32>
    %reduce_min3A = arith.constant dense<0x7F800000> : vector<128xf32>
    %reduce_min3A_7 = vector.multi_reduction <minimumf>, %get3A_6, %reduce_min3A [0] : vector<1000x128xf32> to vector<128xf32>
    %broadcast_in_dim3A = vector.shape_cast %reduce_min3A_7 : vector<128xf32> to vector<1x128xf32>
    %min3A = arith.minimumf %get3A_3, %broadcast_in_dim3A : vector<1x128xf32>
    %swap3A = arith.constant 0 : index
    %swap3A_8 = arith.constant 0 : index
    %swap3A_9 = vector.load %arg3[%swap3A, %swap3A_8] : memref<1x128xf32, #tpu.memory_space<vmem>>, vector<1x128xf32>
    tpu.vector_store %arg3[%swap3A, %swap3A_8], %min3A {strides = array<i32>} : memref<1x128xf32, #tpu.memory_space<vmem>>, vector<1x128xf32>,
    %get3A_10 = arith.constant 0 : index
    %get3A_11 = arith.constant 0 : index
    %get3A_12 = vector.load %arg3[%get3A_10, %get3A_11] : memref<1x128xf32, #tpu.memory_space<vmem>>, vector<1x128xf32>
    %swap3A_13 = arith.constant 0 : index
    %swap3A_14 = arith.constant 0 : index
    %swap3A_15 = vector.load %arg2[%swap3A_13, %swap3A_14] : memref<1x128xf32, #tpu.memory_space<vmem>>, vector<1x128xf32>
    tpu.vector_store %arg2[%swap3A_13, %swap3A_14], %get3A_12 {strides = array<i32>} : memref<1x128xf32, #tpu.memory_space<vmem>>, vector<1x128xf32>,
    return
  }
  func.func @transform_0(%arg0: i32) -> (i32, i32) {
    %c0_i32 = arith.constant 0 : i32
    %c0_i32_0 = arith.constant 0 : i32
    return %arg0, %c0_i32 : i32, i32
  }
  func.func @transform_1(%arg0: i32) -> (i32, i32) {
    %c0_i32 = arith.constant 0 : i32
    %c0_i32_0 = arith.constant 0 : i32
    %c0_i32_1 = arith.constant 0 : i32
    return %c0_i32, %c0_i32_0 : i32, i32
  }
}

module attributes {stable_mosaic.version = 14 : i64} {
  func.func @edge_w32(%arg0: i32, %arg1: memref<1000x128xf32, #tpu.memory_space<vmem>>, %arg2: memref<1x128xf32, #tpu.memory_space<vmem>>, %arg3: memref<1x128xf32, #tpu.memory_space<vmem>>, %arg4: memref<128x32xf32, #tpu.memory_space<vmem>>, %arg5: memref<1000x32xf32, #tpu.memory_space<vmem>>) attributes {dimension_semantics = [#tpu.dimension_semantics<arbitrary>], iteration_bounds = array<i64: 10>, scalar_prefetch = 0 : i64, scratch_operands = 0 : i64, tpu.core_type = #tpu.core_type<tc>, window_params = [{transform_indices = @transform_0, window_bounds = array<i64: 1000, 128>}, {pipeline_mode = #tpu.pipeline_mode<synchronous>, transform_indices = @transform_1, window_bounds = array<i64: 1, 128>}, {pipeline_mode = #tpu.pipeline_mode<synchronous>, transform_indices = @transform_2, window_bounds = array<i64: 1, 128>}, {pipeline_mode = #tpu.pipeline_mode<synchronous>, transform_indices = @transform_3, window_bounds = array<i64: 128, 32>}, {transform_indices = @transform_4, window_bounds = array<i64: 1000, 32>}]} {
    %get3A = arith.constant 0 : index
    %get3A_0 = arith.constant 0 : index
    %get3A_1 = vector.load %arg1[%get3A, %get3A_0] : memref<1000x128xf32, #tpu.memory_space<vmem>>, vector<1000x128xf32>
    %get3A_2 = arith.constant 0 : index
    %get3A_3 = arith.constant 0 : index
    %get3A_4 = vector.load %arg2[%get3A_2, %get3A_3] : memref<1x128xf32, #tpu.memory_space<vmem>>, vector<1x128xf32>
    %sub3A = vector.broadcast %get3A_4 : vector<1x128xf32> to vector<1000x128xf32>
    %sub3A_5 = arith.subf %get3A_1, %sub3A : vector<1000x128xf32>
    %mul3A = arith.mulf %sub3A_5, %sub3A_5 : vector<1000x128xf32>
    %neg3A = arith.constant 0.000000e+00 : f32
    %neg3A_6 = vector.broadcast %neg3A : f32 to vector<1000x128xf32>
    %neg3A_7 = arith.subf %neg3A_6, %mul3A : vector<1000x128xf32>
    %div3A = arith.constant 1.00000095 : f32
    %div3A_8 = vector.broadcast %div3A : f32 to vector<1000x128xf32>
    %div3A_9 = arith.divf %neg3A_7, %div3A_8 : vector<1000x128xf32>
    %exp3A = math.exp %div3A_9 : vector<1000x128xf32>
    %get3A_10 = arith.constant 0 : index
    %get3A_11 = arith.constant 0 : index
    %get3A_12 = vector.load %arg3[%get3A_10, %get3A_11] : memref<1x128xf32, #tpu.memory_space<vmem>>, vector<1x128xf32>
    %mul3A_13 = vector.broadcast %get3A_12 : vector<1x128xf32> to vector<1000x128xf32>
    %mul3A_14 = arith.mulf %exp3A, %mul3A_13 : vector<1000x128xf32>
    %get3A_15 = arith.constant 0 : index
    %get3A_16 = arith.constant 0 : index
    %get3A_17 = vector.load %arg4[%get3A_15, %get3A_16] : memref<128x32xf32, #tpu.memory_space<vmem>>, vector<128x32xf32>
    %dot_general3A = arith.constant dense<0.000000e+00> : vector<1000x32xf32>
    %dot_general3A_18 = tpu.matmul %mul3A_14, %get3A_17, %dot_general3A {dimension_numbers = #tpu.dot_dimension_numbers<[1], [0], [0], [1], [0, 0, 1, 1], [], []>, transpose_lhs_hint = false} : vector<1000x128xf32>, vector<128x32xf32>, vector<1000x32xf32> -> vector<1000x32xf32>
    %neg3A_19 = arith.constant 0.000000e+00 : f32
    %neg3A_20 = vector.broadcast %neg3A_19 : f32 to vector<1000x32xf32>
    %neg3A_21 = arith.subf %neg3A_20, %dot_general3A_18 : vector<1000x32xf32>
    %exp3A_22 = math.exp %neg3A_21 : vector<1000x32xf32>
    %add3A = arith.constant 1.000000e+00 : f32
    %add3A_23 = vector.broadcast %add3A : f32 to vector<1000x32xf32>
    %add3A_24 = arith.addf %add3A_23, %exp3A_22 : vector<1000x32xf32>
    %div3A_25 = arith.constant 1.000000e+00 : f32
    %div3A_26 = vector.broadcast %div3A_25 : f32 to vector<1000x32xf32>
    %div3A_27 = arith.divf %div3A_26, %add3A_24 : vector<1000x32xf32>
    %swap3A = arith.constant 0 : index
    %swap3A_28 = arith.constant 0 : index
    %swap3A_29 = vector.load %arg5[%swap3A, %swap3A_28] : memref<1000x32xf32, #tpu.memory_space<vmem>>, vector<1000x32xf32>
    tpu.vector_store %arg5[%swap3A, %swap3A_28], %div3A_27 {strides = array<i32>} : memref<1000x32xf32, #tpu.memory_space<vmem>>, vector<1000x32xf32>,
    return
  }
  func.func @transform_0(%arg0: i32) -> (i32, i32) {
    %c0_i32 = arith.constant 0 : i32
    %c0_i32_0 = arith.constant 0 : i32
    return %arg0, %c0_i32 : i32, i32
  }
  func.func @transform_1(%arg0: i32) -> (i32, i32) {
    %c0_i32 = arith.constant 0 : i32
    %c0_i32_0 = arith.constant 0 : i32
    %c0_i32_1 = arith.constant 0 : i32
    return %c0_i32, %c0_i32_0 : i32, i32
  }
  func.func @transform_2(%arg0: i32) -> (i32, i32) {
    %c0_i32 = arith.constant 0 : i32
    %c0_i32_0 = arith.constant 0 : i32
    %c0_i32_1 = arith.constant 0 : i32
    return %c0_i32, %c0_i32_0 : i32, i32
  }
  func.func @transform_3(%arg0: i32) -> (i32, i32) {
    %c0_i32 = arith.constant 0 : i32
    %c0_i32_0 = arith.constant 0 : i32
    %c0_i32_1 = arith.constant 0 : i32
    return %c0_i32, %c0_i32_0 : i32, i32
  }
  func.func @transform_4(%arg0: i32) -> (i32, i32) {
    %c0_i32 = arith.constant 0 : i32
    %c0_i32_0 = arith.constant 0 : i32
    return %arg0, %c0_i32 : i32, i32
  }
}

module attributes {stable_mosaic.version = 14 : i64} {
  func.func @edge_w_rep(%arg0: i32, %arg1: memref<4000x8xf32, #tpu.memory_space<vmem>>, %arg2: memref<8x128xf32, #tpu.memory_space<vmem>>, %arg3: memref<4000x128xf32, #tpu.memory_space<vmem>>) attributes {dimension_semantics = [#tpu.dimension_semantics<arbitrary>], iteration_bounds = array<i64: 10>, scalar_prefetch = 0 : i64, scratch_operands = 0 : i64, tpu.core_type = #tpu.core_type<tc>, window_params = [{transform_indices = @transform_0, window_bounds = array<i64: 4000, 8>}, {pipeline_mode = #tpu.pipeline_mode<synchronous>, transform_indices = @transform_1, window_bounds = array<i64: 8, 128>}, {transform_indices = @transform_2, window_bounds = array<i64: 4000, 128>}]} {
    %get3A = arith.constant 0 : index
    %get3A_0 = arith.constant 0 : index
    %get3A_1 = vector.load %arg1[%get3A, %get3A_0] : memref<4000x8xf32, #tpu.memory_space<vmem>>, vector<4000x8xf32>
    %get3A_2 = arith.constant 0 : index
    %get3A_3 = arith.constant 0 : index
    %get3A_4 = vector.load %arg2[%get3A_2, %get3A_3] : memref<8x128xf32, #tpu.memory_space<vmem>>, vector<8x128xf32>
    %dot_general3A = arith.constant dense<0.000000e+00> : vector<4000x128xf32>
    %dot_general3A_5 = tpu.matmul %get3A_1, %get3A_4, %dot_general3A {dimension_numbers = #tpu.dot_dimension_numbers<[1], [0], [0], [1], [0, 0, 1, 1], [], []>, transpose_lhs_hint = false} : vector<4000x8xf32>, vector<8x128xf32>, vector<4000x128xf32> -> vector<4000x128xf32>
    %swap3A = arith.constant 0 : index
    %swap3A_6 = arith.constant 0 : index
    %swap3A_7 = vector.load %arg3[%swap3A, %swap3A_6] : memref<4000x128xf32, #tpu.memory_space<vmem>>, vector<4000x128xf32>
    tpu.vector_store %arg3[%swap3A, %swap3A_6], %dot_general3A_5 {strides = array<i32>} : memref<4000x128xf32, #tpu.memory_space<vmem>>, vector<4000x128xf32>,
    return
  }
  func.func @transform_0(%arg0: i32) -> (i32, i32) {
    %c0_i32 = arith.constant 0 : i32
    %c0_i32_0 = arith.constant 0 : i32
    return %arg0, %c0_i32 : i32, i32
  }
  func.func @transform_1(%arg0: i32) -> (i32, i32) {
    %c0_i32 = arith.constant 0 : i32
    %c0_i32_0 = arith.constant 0 : i32
    %c0_i32_1 = arith.constant 0 : i32
    return %c0_i32, %c0_i32_0 : i32, i32
  }
  func.func @transform_2(%arg0: i32) -> (i32, i32) {
    %c0_i32 = arith.constant 0 : i32
    %c0_i32_0 = arith.constant 0 : i32
    return %arg0, %c0_i32 : i32, i32
  }
}

module attributes {stable_mosaic.version = 14 : i64} {
  func.func @h_mm(%arg0: i32, %arg1: memref<1000x128xf32, #tpu.memory_space<vmem>>, %arg2: memref<128x128xf32, #tpu.memory_space<vmem>>, %arg3: memref<1000x128xf32, #tpu.memory_space<vmem>>) attributes {dimension_semantics = [#tpu.dimension_semantics<arbitrary>], iteration_bounds = array<i64: 10>, scalar_prefetch = 0 : i64, scratch_operands = 0 : i64, tpu.core_type = #tpu.core_type<tc>, window_params = [{transform_indices = @transform_0, window_bounds = array<i64: 1000, 128>}, {pipeline_mode = #tpu.pipeline_mode<synchronous>, transform_indices = @transform_1, window_bounds = array<i64: 128, 128>}, {transform_indices = @transform_2, window_bounds = array<i64: 1000, 128>}]} {
    %get3A = arith.constant 0 : index
    %get3A_0 = arith.constant 0 : index
    %get3A_1 = vector.load %arg1[%get3A, %get3A_0] : memref<1000x128xf32, #tpu.memory_space<vmem>>, vector<1000x128xf32>
    %get3A_2 = arith.constant 0 : index
    %get3A_3 = arith.constant 0 : index
    %get3A_4 = vector.load %arg2[%get3A_2, %get3A_3] : memref<128x128xf32, #tpu.memory_space<vmem>>, vector<128x128xf32>
    %dot_general3A = arith.constant dense<0.000000e+00> : vector<1000x128xf32>
    %dot_general3A_5 = tpu.matmul %get3A_1, %get3A_4, %dot_general3A {dimension_numbers = #tpu.dot_dimension_numbers<[1], [0], [0], [1], [0, 0, 1, 1], [], []>, transpose_lhs_hint = false} : vector<1000x128xf32>, vector<128x128xf32>, vector<1000x128xf32> -> vector<1000x128xf32>
    %swap3A = arith.constant 0 : index
    %swap3A_6 = arith.constant 0 : index
    %swap3A_7 = vector.load %arg3[%swap3A, %swap3A_6] : memref<1000x128xf32, #tpu.memory_space<vmem>>, vector<1000x128xf32>
    tpu.vector_store %arg3[%swap3A, %swap3A_6], %dot_general3A_5 {strides = array<i32>} : memref<1000x128xf32, #tpu.memory_space<vmem>>, vector<1000x128xf32>,
    return
  }
  func.func @transform_0(%arg0: i32) -> (i32, i32) {
    %c0_i32 = arith.constant 0 : i32
    %c0_i32_0 = arith.constant 0 : i32
    return %arg0, %c0_i32 : i32, i32
  }
  func.func @transform_1(%arg0: i32) -> (i32, i32) {
    %c0_i32 = arith.constant 0 : i32
    %c0_i32_0 = arith.constant 0 : i32
    %c0_i32_1 = arith.constant 0 : i32
    return %c0_i32, %c0_i32_0 : i32, i32
  }
  func.func @transform_2(%arg0: i32) -> (i32, i32) {
    %c0_i32 = arith.constant 0 : i32
    %c0_i32_0 = arith.constant 0 : i32
    return %arg0, %c0_i32 : i32, i32
  }
}

module attributes {stable_mosaic.version = 14 : i64} {
  func.func @final(%arg0: i32, %arg1: memref<1000x128xf32, #tpu.memory_space<vmem>>, %arg2: memref<1000x128xf32, #tpu.memory_space<vmem>>, %arg3: memref<128x128xf32, #tpu.memory_space<vmem>>, %arg4: memref<1x128xf32, #tpu.memory_space<vmem>>, %arg5: memref<144x8xf32, #tpu.memory_space<vmem>>, %arg6: memref<1x8xf32, #tpu.memory_space<vmem>>, %arg7: memref<1x16xf32, #tpu.memory_space<vmem>>, %arg8: memref<1x8xf32, #tpu.memory_space<vmem>>, %arg9: memref<1x128xf32, #tpu.memory_space<vmem>>) attributes {dimension_semantics = [#tpu.dimension_semantics<arbitrary>], iteration_bounds = array<i64: 10>, scalar_prefetch = 0 : i64, scratch_operands = 1 : i64, tpu.core_type = #tpu.core_type<tc>, window_params = [{transform_indices = @transform_0, window_bounds = array<i64: 1000, 128>}, {transform_indices = @transform_1, window_bounds = array<i64: 1000, 128>}, {pipeline_mode = #tpu.pipeline_mode<synchronous>, transform_indices = @transform_2, window_bounds = array<i64: 128, 128>}, {pipeline_mode = #tpu.pipeline_mode<synchronous>, transform_indices = @transform_3, window_bounds = array<i64: 1, 128>}, {pipeline_mode = #tpu.pipeline_mode<synchronous>, transform_indices = @transform_4, window_bounds = array<i64: 144, 8>}, {pipeline_mode = #tpu.pipeline_mode<synchronous>, transform_indices = @transform_5, window_bounds = array<i64: 1, 8>}, {pipeline_mode = #tpu.pipeline_mode<synchronous>, transform_indices = @transform_6, window_bounds = array<i64: 1, 16>}, {pipeline_mode = #tpu.pipeline_mode<synchronous>, transform_indices = @transform_7, window_bounds = array<i64: 1, 8>}]} {
    %eq3A = arith.constant 0 : i32
    %eq3A_0 = arith.cmpi eq, %arg0, %eq3A : i32
    %convert_element_type3A = arith.extui %eq3A_0 : i1 to i32
    %cond3A = arith.constant 0 : i32
    %cond3A_1 = arith.cmpi ne, %convert_element_type3A, %cond3A : i32
    scf.if %cond3A_1 {
      %broadcast_in_dim3A_30 = arith.constant 0.000000e+00 : f32
      %broadcast_in_dim3A_31 = vector.broadcast %broadcast_in_dim3A_30 : f32 to vector<1x128xf32>
      %swap3A_32 = arith.constant 0 : index
      %swap3A_33 = arith.constant 0 : index
      %swap3A_34 = vector.load %arg9[%swap3A_32, %swap3A_33] : memref<1x128xf32, #tpu.memory_space<vmem>>, vector<1x128xf32>
      tpu.vector_store %arg9[%swap3A_32, %swap3A_33], %broadcast_in_dim3A_31 {strides = array<i32>} : memref<1x128xf32, #tpu.memory_space<vmem>>, vector<1x128xf32>,
      %broadcast_in_dim3A_35 = arith.constant 0.000000e+00 : f32
      %broadcast_in_dim3A_36 = vector.broadcast %broadcast_in_dim3A_35 : f32 to vector<1x8xf32>
      %swap3A_37 = arith.constant 0 : index
      %swap3A_38 = arith.constant 0 : index
      %swap3A_39 = vector.load %arg8[%swap3A_37, %swap3A_38] : memref<1x8xf32, #tpu.memory_space<vmem>>, vector<1x8xf32>
      tpu.vector_store %arg8[%swap3A_37, %swap3A_38], %broadcast_in_dim3A_36 {strides = array<i32>} : memref<1x8xf32, #tpu.memory_space<vmem>>, vector<1x8xf32>,
    } else {
    }
    %get3A = arith.constant 0 : index
    %get3A_2 = arith.constant 0 : index
    %get3A_3 = vector.load %arg1[%get3A, %get3A_2] : memref<1000x128xf32, #tpu.memory_space<vmem>>, vector<1000x128xf32>
    %get3A_4 = arith.constant 0 : index
    %get3A_5 = arith.constant 0 : index
    %get3A_6 = vector.load %arg2[%get3A_4, %get3A_5] : memref<1000x128xf32, #tpu.memory_space<vmem>>, vector<1000x128xf32>
    %add3A = arith.addf %get3A_3, %get3A_6 : vector<1000x128xf32>
    %get3A_7 = arith.constant 0 : index
    %get3A_8 = arith.constant 0 : index
    %get3A_9 = vector.load %arg3[%get3A_7, %get3A_8] : memref<128x128xf32, #tpu.memory_space<vmem>>, vector<128x128xf32>
    %dot_general3A = arith.constant dense<0.000000e+00> : vector<1000x128xf32>
    %dot_general3A_10 = tpu.matmul %add3A, %get3A_9, %dot_general3A {dimension_numbers = #tpu.dot_dimension_numbers<[1], [0], [0], [1], [0, 0, 1, 1], [], []>, transpose_lhs_hint = false} : vector<1000x128xf32>, vector<128x128xf32>, vector<1000x128xf32> -> vector<1000x128xf32>
    %get3A_11 = arith.constant 0 : index
    %get3A_12 = arith.constant 0 : index
    %get3A_13 = vector.load %arg4[%get3A_11, %get3A_12] : memref<1x128xf32, #tpu.memory_space<vmem>>, vector<1x128xf32>
    %add3A_14 = vector.broadcast %get3A_13 : vector<1x128xf32> to vector<1000x128xf32>
    %add3A_15 = arith.addf %dot_general3A_10, %add3A_14 : vector<1000x128xf32>
    %max3A = arith.constant 0.000000e+00 : f32
    %max3A_16 = vector.broadcast %max3A : f32 to vector<1000x128xf32>
    %max3A_17 = arith.maximumf %add3A_15, %max3A_16 : vector<1000x128xf32>
    %get3A_18 = arith.constant 0 : index
    %get3A_19 = arith.constant 0 : index
    %get3A_20 = vector.load %arg9[%get3A_18, %get3A_19] : memref<1x128xf32, #tpu.memory_space<vmem>>, vector<1x128xf32>
    %reduce_sum3A = arith.constant dense<0.000000e+00> : vector<128xf32>
    %reduce_sum3A_21 = vector.multi_reduction <add>, %max3A_17, %reduce_sum3A [0] : vector<1000x128xf32> to vector<128xf32>
    %broadcast_in_dim3A = vector.shape_cast %reduce_sum3A_21 : vector<128xf32> to vector<1x128xf32>
    %add3A_22 = arith.addf %get3A_20, %broadcast_in_dim3A : vector<1x128xf32>
    %swap3A = arith.constant 0 : index
    %swap3A_23 = arith.constant 0 : index
    %swap3A_24 = vector.load %arg9[%swap3A, %swap3A_23] : memref<1x128xf32, #tpu.memory_space<vmem>>, vector<1x128xf32>
    tpu.vector_store %arg9[%swap3A, %swap3A_23], %add3A_22 {strides = array<i32>} : memref<1x128xf32, #tpu.memory_space<vmem>>, vector<1x128xf32>,
    %eq3A_25 = arith.constant 9 : i32
    %eq3A_26 = arith.cmpi eq, %arg0, %eq3A_25 : i32
    %convert_element_type3A_27 = arith.extui %eq3A_26 : i1 to i32
    %cond3A_28 = arith.constant 0 : i32
    %cond3A_29 = arith.cmpi ne, %convert_element_type3A_27, %cond3A_28 : i32
    scf.if %cond3A_29 {
      %get3A_30 = arith.constant 0 : index
      %get3A_31 = arith.constant 0 : index
      %get3A_32 = vector.load %arg9[%get3A_30, %get3A_31] : memref<1x128xf32, #tpu.memory_space<vmem>>, vector<1x128xf32>
      %get3A_33 = arith.constant 0 : index
      %get3A_34 = arith.constant 0 : index
      %get3A_35 = vector.load %arg5[%get3A_33, %get3A_34] : memref<144x8xf32, #tpu.memory_space<vmem>>, vector<128x8xf32>
      %dot_general3A_36 = arith.constant dense<0.000000e+00> : vector<1x8xf32>
      %dot_general3A_37 = tpu.matmul %get3A_32, %get3A_35, %dot_general3A_36 {dimension_numbers = #tpu.dot_dimension_numbers<[1], [0], [0], [1], [0, 0, 1, 1], [], []>, transpose_lhs_hint = false} : vector<1x128xf32>, vector<128x8xf32>, vector<1x8xf32> -> vector<1x8xf32>
      %get3A_38 = arith.constant 0 : index
      %get3A_39 = arith.constant 0 : index
      %get3A_40 = vector.load %arg7[%get3A_38, %get3A_39] : memref<1x16xf32, #tpu.memory_space<vmem>>, vector<1x16xf32>
      %get3A_41 = arith.constant 128 : index
      %get3A_42 = arith.constant 0 : index
      %get3A_43 = vector.load %arg5[%get3A_41, %get3A_42] : memref<144x8xf32, #tpu.memory_space<vmem>>, vector<16x8xf32>
      %dot_general3A_44 = arith.constant dense<0.000000e+00> : vector<1x8xf32>
      %dot_general3A_45 = tpu.matmul %get3A_40, %get3A_43, %dot_general3A_44 {dimension_numbers = #tpu.dot_dimension_numbers<[1], [0], [0], [1], [0, 0, 1, 1], [], []>, transpose_lhs_hint = false} : vector<1x16xf32>, vector<16x8xf32>, vector<1x8xf32> -> vector<1x8xf32>
      %add3A_46 = arith.addf %dot_general3A_37, %dot_general3A_45 : vector<1x8xf32>
      %get3A_47 = arith.constant 0 : index
      %get3A_48 = arith.constant 0 : index
      %get3A_49 = vector.load %arg6[%get3A_47, %get3A_48] : memref<1x8xf32, #tpu.memory_space<vmem>>, vector<1x8xf32>
      %add3A_50 = arith.addf %add3A_46, %get3A_49 : vector<1x8xf32>
      %swap3A_51 = arith.constant 0 : index
      %swap3A_52 = arith.constant 0 : index
      %swap3A_53 = vector.load %arg8[%swap3A_51, %swap3A_52] : memref<1x8xf32, #tpu.memory_space<vmem>>, vector<1x8xf32>
      tpu.vector_store %arg8[%swap3A_51, %swap3A_52], %add3A_50 {strides = array<i32>} : memref<1x8xf32, #tpu.memory_space<vmem>>, vector<1x8xf32>,
    } else {
    }
    return
  }
  func.func @transform_0(%arg0: i32) -> (i32, i32) {
    %c0_i32 = arith.constant 0 : i32
    %c0_i32_0 = arith.constant 0 : i32
    return %arg0, %c0_i32 : i32, i32
  }
  func.func @transform_1(%arg0: i32) -> (i32, i32) {
    %add3A = arith.constant 10 : i32
    %add3A_0 = arith.addi %arg0, %add3A : i32
    %c0_i32 = arith.constant 0 : i32
    %c0_i32_1 = arith.constant 0 : i32
    return %add3A_0, %c0_i32 : i32, i32
  }
  func.func @transform_2(%arg0: i32) -> (i32, i32) {
    %c0_i32 = arith.constant 0 : i32
    %c0_i32_0 = arith.constant 0 : i32
    %c0_i32_1 = arith.constant 0 : i32
    return %c0_i32, %c0_i32_0 : i32, i32
  }
  func.func @transform_3(%arg0: i32) -> (i32, i32) {
    %c0_i32 = arith.constant 0 : i32
    %c0_i32_0 = arith.constant 0 : i32
    %c0_i32_1 = arith.constant 0 : i32
    return %c0_i32, %c0_i32_0 : i32, i32
  }
  func.func @transform_4(%arg0: i32) -> (i32, i32) {
    %c0_i32 = arith.constant 0 : i32
    %c0_i32_0 = arith.constant 0 : i32
    %c0_i32_1 = arith.constant 0 : i32
    return %c0_i32, %c0_i32_0 : i32, i32
  }
  func.func @transform_5(%arg0: i32) -> (i32, i32) {
    %c0_i32 = arith.constant 0 : i32
    %c0_i32_0 = arith.constant 0 : i32
    %c0_i32_1 = arith.constant 0 : i32
    return %c0_i32, %c0_i32_0 : i32, i32
  }
  func.func @transform_6(%arg0: i32) -> (i32, i32) {
    %c0_i32 = arith.constant 0 : i32
    %c0_i32_0 = arith.constant 0 : i32
    %c0_i32_1 = arith.constant 0 : i32
    return %c0_i32, %c0_i32_0 : i32, i32
  }
  func.func @transform_7(%arg0: i32) -> (i32, i32) {
    %c0_i32 = arith.constant 0 : i32
    %c0_i32_0 = arith.constant 0 : i32
    %c0_i32_1 = arith.constant 0 : i32
    return %c0_i32, %c0_i32_0 : i32, i32
  }
}

</mosaic_0001>

<sc_bundles>
// kernel: sc_scatter.3.cloned.1.call-start
scs
__scs_entry_jumppad:
0x0: {  	(pc) =	sbr.rel $0x88, $3  }
0x1: {  	(tag) =	ssettag $0x0;
	lr =	simm.s32 $0x1  }
0x2: {  	[smem:$0x3F98] =	sst lr;
	_ =	strace $0xD0000000  }
0x3: {  	_ = 	snop  }
0x4: {  	_ = 	snop  }
0x5: {  	_ = 	snop  }
0x6: {  	_ = 	snop  }
0x7: {  	_ = 	snop  }
__scs_overlays_trampoline_lowered:
0x8: {  	[smem:$0x3FA7] =	sst s0  }
0x9: {  	[smem:$0x3FA8] =	sst s1  }
0xa: {  	[smem:$0x3FA9] =	sst s2  }
0xb: {  	[smem:$0x3FAA] =	sst s3  }
0xc: {  	[smem:$0x3FAB] =	sst s4  }
0xd: {  	[smem:$0x3FAC] =	sst s5  }
0xe: {  	[smem:$0x3FAD] =	sst s6  }
0xf: {  	[smem:$0x3FAE] =	sst s7  }
0x10: {  	[smem:$0x3FAF] =	sst s8  }
0x11: {  	[smem:$0x3FB0] =	sst s9;
	s0 =	simm.s32 @!p0 $0x0  }
0x12: {  	s1 =	sld [smem:$0x3F96];
	s0 =	simm.s32 @p0 $0x1  }
0x13: {  	[smem:$0x3FB1] =	sst s0;
	s0 =	simm.s32 @!p1 $0x0  }
0x14: {  	s2 =	sld [smem:$0x3F95];
	s0 =	simm.s32 @p1 $0x1  }
0x15: {  	[smem:$0x3FB2] =	sst s0;
	s0 =	simm.s32 @!p2 $0x0  }
0x16: {  	s3 =	sld [smem:$0x3FDB];
	s0 =	simm.s32 @p2 $0x1  }
0x17: {  	s4 =	simm.s32 $0x1BF5;
	[smem:$0x3FB4] =	sst s0  }
0x18: {  	s0 =	sld [smem:$0x3F97];
	_ =	swait.ge [sflag:s4], $0x0  }
0x19: {  	s7 =	sld [smem:$0x3F98]  }
0x1a: {  	s8 =	sadd.s32 $0xFFFFE003, lr  }
0x1b: {  	s9 =	sadd.s32 $0xFFFFFEF7, lr;
	s5 =	simm.s32 $0xFFFFFFFF;
	p2 =	slt.u32 s8, $0xFFFFF086  }
0x1c: {  	p1 =	slt.u32 s9, $0xF7A;
	s5 =	simm.s32 @!p2 $0x0  }
0x1d: {  	s5 =	simm.s32 @p1 $0x1;
	p0 =	seq.s32 s7, s2  }
0x1e: {  	s7 =	smul.u32 @!p0 $0xF7A, s2;
	p2 =	seq.s32 @!p0 s5, $0x0  }
0x1f: {  	s9 =	smul.u32 $0xF7A, s1;
	s8 =	simm.s32 @!p0 $0x1BF5;
	p2 =	por !p2, p0  }
0x20: {  	[sflag:s8] =	ssyncset.s32 @!p0 $0xFFFFF086;
	s6 =	sadd.s32 @!p0 s3, s7;
	s7 =	simm.s32 @!p0 $0x108  }
0x21: {  	s3 =	sadd.s32 s3, s9;
	s6 =	sadd.s32 @!p0 $0x88, s6;
	s7 =	simm.s32 @p2 $0x1082  }
0x22: {  	[simem:s7], [sflag:s8] =	dma.local @!p0 [hbm:s6], $0xF7A  }
0x23: {  	s9 =	sor.u32 $0xD0000000, s2;
	s6 =	simm.s32 $0x108;
	_ =	swait.ge @!p0 [sflag:s8], $0x0  }
0x24: {  	s3 =	sadd.s32 $0x88, s3;
	s6 =	simm.s32 @!p1 $0x1082;
	[sflag:s4] =	ssyncset.s32 $0xFFFFF086  }
0x25: {  	[simem:s6], [sflag:s4] =	dma.local [hbm:s3], $0xF7A  }
0x26: {  	[smem:$0x3F98] =	sst s1;
	(tag) =	ssettag s2;
	_ =	strace s9  }
0x27: {  	s1 =	sld [smem:$0x3FA8]  }
0x28: {  	s2 =	sld [smem:$0x3FA9]  }
0x29: {  	s4 =	sld [smem:$0x3FAB]  }
0x2a: {  	p0 =	seq.s32 s5, $0x0;
	s5 =	sld [smem:$0x3FAC]  }
0x2b: {  	s6 =	sld [smem:$0x3FAD]  }
0x2c: {  	s7 =	sld [smem:$0x3FAE]  }
0x2d: {  	s3 =	simm.s32 $0x108;
	s8 =	sld [smem:$0x3FAF]  }
0x2e: {  	s3 =	simm.s32 @!p0 $0x1082;
	s9 =	sld [smem:$0x3FB0]  }
0x2f: {  	lr =	sadd.s32 s0, s3;
	s0 =	sld [smem:$0x3FA7]  }
0x30: {  	s3 =	sld [smem:$0x3FAA]  }
0x31: {  	[smem:$0x3FB3] =	sst s10  }
0x32: {  	s10 =	sld [smem:$0x3FB1];
	_ =	sdelay $0x3  }
0x33: {  	p0 =	seq.s32 s10, $0x1;
	s10 =	sld [smem:$0x3FB3];
	_ =	sdelay $0x3  }
0x34: {  	[smem:$0x3FB3] =	sst s10  }
0x35: {  	s10 =	sld [smem:$0x3FB2];
	_ =	sdelay $0x3  }
0x36: {  	p1 =	seq.s32 s10, $0x1;
	s10 =	sld [smem:$0x3FB3];
	_ =	sdelay $0x3  }
0x37: {  	[smem:$0x3FB3] =	sst s10  }
0x38: {  	s10 =	sld [smem:$0x3FB4]  }
0x39: {  	_ = 	snop;
	(pc) =	sbr.ind lr, $3  }
0x3a: {  	_ = 	snop  }
0x3b: {  	_ = 	snop  }
0x3c: {  	p2 =	seq.s32 s10, $0x1;
	s10 =	sld [smem:$0x3FB3]  }
0x3d: {  	_ =	shalt  }
0x3e: {  	_ =	shalt  }
0x3f: {  	_ =	shalt  }
0x40: {  	_ =	shalt  }
0x41: {  	_ =	shalt  }
0x42: {  	_ =	shalt  }
0x43: {  	_ =	shalt  }
0x44: {  	_ =	shalt  }
0x45: {  	_ =	shalt  }
0x46: {  	_ =	shalt  }
0x47: {  	_ =	shalt  }
0x48: {  	_ =	shalt  }
0x49: {  	_ =	shalt  }
0x4a: {  	_ =	shalt  }
0x4b: {  	_ =	shalt  }
0x4c: {  	_ =	shalt  }
0x4d: {  	_ =	shalt  }
0x4e: {  	_ =	shalt  }
0x4f: {  	_ =	shalt  }
0x50: {  	_ =	shalt  }
0x51: {  	_ =	shalt  }
0x52: {  	_ =	shalt  }
0x53: {  	_ =	shalt  }
0x54: {  	_ =	shalt  }
0x55: {  	_ =	shalt  }
0x56: {  	_ =	shalt  }
0x57: {  	_ =	shalt  }
0x58: {  	_ =	shalt  }
0x59: {  	_ =	shalt  }
0x5a: {  	_ =	shalt  }
0x5b: {  	_ =	shalt  }
0x5c: {  	_ =	shalt  }
0x5d: {  	_ =	shalt  }
0x5e: {  	_ =	shalt  }
0x5f: {  	_ =	shalt  }
0x60: {  	_ =	shalt  }
0x61: {  	_ =	shalt  }
0x62: {  	_ =	shalt  }
0x63: {  	_ =	shalt  }
0x64: {  	_ =	shalt  }
0x65: {  	_ =	shalt  }
0x66: {  	_ =	shalt  }
0x67: {  	_ =	shalt  }
0x68: {  	_ =	shalt  }
0x69: {  	_ =	shalt  }
0x6a: {  	_ =	shalt  }
0x6b: {  	_ =	shalt  }
0x6c: {  	_ =	shalt  }
0x6d: {  	_ =	shalt  }
0x6e: {  	_ =	shalt  }
0x6f: {  	_ =	shalt  }
0x70: {  	_ =	shalt  }
0x71: {  	_ =	shalt  }
0x72: {  	_ =	shalt  }
0x73: {  	_ =	shalt  }
0x74: {  	_ =	shalt  }
0x75: {  	_ =	shalt  }
0x76: {  	_ =	shalt  }
0x77: {  	_ =	shalt  }
0x78: {  	_ =	shalt  }
0x79: {  	_ =	shalt  }
0x7a: {  	_ =	shalt  }
0x7b: {  	_ =	shalt  }
0x7c: {  	_ =	shalt  }
0x7d: {  	_ =	shalt  }
0x7e: {  	_ =	shalt  }
0x7f: {  	_ =	shalt  }
0x80: {  	_ =	shalt  }
0x81: {  	_ =	shalt  }
0x82: {  	_ =	shalt  }
0x83: {  	_ =	shalt  }
0x84: {  	_ =	shalt  }
0x85: {  	_ =	shalt  }
0x86: {  	_ =	shalt  }
0x87: {  	_ =	shalt  }
.Lfunc_end0:
.L_simem_size_0:
called_computation_lowered:
.L_overlay_start_0:
0x88: {  	s2 =	sld [smem:$0x3FD9]  }
0x89: {  	s3 =	sld [smem:$0x3FFE];
	_ =	sdelay $0x1  }
0x8a: {  	s1 =	srdreg.scid  }
0x8b: {  	s0 =	sand.u32 $0x1, s1  }
0x8c: {  	s16 =	sshll.u32 s0, $0xA;
	s2 =	sadd.s32 s3, s2  }
0x8d: {  	s2 =	sadd.s32 s2, s16  }
0x8e: {  	[smem:$0x3FBF] =	sst s2  }
0x8f: {  	_ = 	snop  }
0x90: {  	(tm) =	ssettm $0x1  }
0x91: {  	s17 =	sld [smem:$0x3FFB];
	_ =	sdelay $0x3  }
0x92: {  	_ =	strace s17  }
0x93: {  	s2 =	sld [smem:$0x3FFC];
	_ =	sdelay $0x3  }
0x94: {  	_ =	strace s2  }
0x95: {  	s2 =	sld [smem:$0x3FFD];
	_ =	sdelay $0x3  }
0x96: {  	_ =	strace s2  }
0x97: {  	_ =	strace $0x8FFFFFFF  }
0x98: {  	s18 =	sld [smem:$0x3FDB];
	_ =	sdelay $0x1  }
0x99: {  	s19 =	simm.s32 $_scs_section_size  }
0x9a: {  	s4 =	simm.s32 $_size__tile_overlayer_lowered;
	s5 =	simm.s32 $_tile_overlayer_lowered  }
0x9b: {  	s22 =	simm.s32 $0x1BFF;
	s21 =	sshll.u32 s5, $0x1;
	s2 =	sadd.s32 s19, s18  }
0x9c: {  	s6 =	simm.s32 $0x0;
	s20 =	sshll.u32 s4, $0x1;
	s4 =	sadd.s32 s21, s2  }
0x9d: {  	[timem:s6], [sflag:s22] =	dma.local [hbm:s4], s20  }
0x9e: {  	_ =	swait.ge [sflag:s22], s20  }
0x9f: {  	s3 =	ssub.s32 $0x0, s20;
	[sflag:s22] =	ssyncset.done $0x0  }
0xa0: {  	[sflag:s22] =	ssyncadd.s32 s3;
	_ =	sdelay $0x1  }
0xa1: {  	s23 =	simm.s32 $0x1B8B  }
0xa2: {  	_ =	swait.ge [sflag:s23], $0x1  }
0xa3: {  	[sflag:s23] =	ssyncset.done $0x0  }
0xa4: {  	s25 =	simm.s32 $0x1B8E;
	s24 =	sld [smem:$0x3FFE];
	[sflag:s23] =	ssyncadd.s32 $0xFFFFFFFF  }
0xa5: {  	s26 =	simm.s32 $execute0_lowered;
	[smem:$0x3FD2] =	sst s25  }
0xa6: {  	s4 =	sshll.u32 s26, $0x1;
	_ =	strace $0x80000046;
	[dreg:$0x1] =	wrdreg $0xFFFFFFFF  }
0xa7: {  	s28 =	simm.s32 $_size_execute0_lowered;
	s2 =	sadd.s32 s2, s4;
	[dreg:$0x0] =	wrdreg $0x0  }
0xa8: {  	s4 =	sshll.u32 s28, $0x1;
	[dreg:$0x2] =	wrdreg s2  }
0xa9: {  	[dreg:$0x3] =	wrdreg s4  }
0xaa: {  	[dreg:$0x4] =	wrdreg $0xC0  }
0xab: {  	_ =	task [dreg:s6], $0x5FFFF  }
0xac: {  	[dreg:$0x1] =	wrdreg $0xFFFFFFFF  }
0xad: {  	[dreg:$0x0] =	wrdreg $0x60  }
0xae: {  	[dreg:$0x2] =	wrdreg s24  }
0xaf: {  	[dreg:$0x3] =	wrdreg $0xB9000  }
0xb0: {  	[dreg:$0x4] =	wrdreg $0x9  }
0xb1: {  	_ =	task.clear_ibuf [dreg:s6], $0x5FFFF;
	_ =	strace $0x90000046  }
0xb2: {  	s29 =	simm.s32 $0x9;
	_ =	strace $0x80000048  }
0xb3: {  	_ =	swait.ge [sflag:s29], $0x1  }
0xb4: {  	[sflag:s29] =	ssyncadd.s32 $0xFFFFFFFF  }
0xb5: {  	_ =	strace $0x90000048  }
0xb6: {  	_ =	sfence  }
0xb7: {  	s30 =	sld [smem:$0x0];
	_ =	sdelay $0x2  }
0xb8: {  	s31 =	sshll.u32 s1, $0xD;
	s1 =	sshrl.u32 s1, $0x2  }
0xb9: {  	s3 =	sand.u32 $0x4000, s31;
	s1 =	sadd.s32 s1, s30  }
0xba: {  	s0 =	sor.u32 s3, s0;
	s1 =	sshll.u32 s1, $0x11  }
0xbb: {  	s0 =	sor.u32 s1, s0  }
0xbc: {  	s0 =	sadd.s32 $0x8F2B, s0  }
0xbd: {  	[sflag:s0] =	ssyncadd.remote.s32 $0x1  }
0xbe: {  	_ =	sfence.sel $0xFFFF  }
0xbf: {  	[dreg:$0x0] =	wrdreg $0xFFFFFFFF;
	(pc) =	sbr.abs _section_cstart, $3  }
0xc0: {  	[dreg:$0x1] =	wrdreg $0xFFFFFFFF  }
0xc1: {  	_ =	task.clear_ibuf [dreg:s6], $0x2FFFF;
	_ =	strace $0x9FFFFFFF  }
0xc2: {  	(tm) =	ssettm $0x7FFFFFFF  }
0xc3: {  	_ =	shalt  }
tec
execute0_lowered:
.L_overlay_start_1:
0x0: {  	(tag) =	ssettag $0x1  }
0x1: {  	s0 =	srdreg.scid;
	s1 =	rddreg [dreg:$0x0]  }
0x2: {  	s2 =	rddreg [dreg:$0x1];
	s6 =	stileid.u32;
	s3 =	simm.s32 $0x0  }
0x3: {  	s19 =	simm.s32 $0x3900;
	s20 =	simm.s32 $0x3;
	s28 =	simm.s32 $0x7900  }
0x4: {  	s29 =	simm.s32 $0x2880;
	s30 =	simm.s32 $0x3100;
	s31 =	simm.s32 $0x2  }
0x5: {  	s0 =	sand.u32 $0x1, s0;
	[smem:$0x7FF] =	sst s3;
	s8 =	smul.u32 $0x4E200, s6  }
0x6: {  	s5 =	sadd.s32 $0xB4A00, s1;
	s7 =	sadd.s32 $0xA00, s1;
	s4 =	sshll.u32 s0, $0x4  }
0x7: {  	_ =	strace $0x80000047;
	s0 =	ssub.s32 $0x2, s0;
	s8 =	sshrl.u32 s8, $0x2  }
0x8: {  	s9 =	sor.u32 s6, s4;
	s6 =	sadd.s32 $0xAAA00, s1;
	s8 =	sadd.s32 s8, s2  }
0x9: {  	s21 =	sshrl.u32 s0, $0x1;
	s4 =	smul.u32 $0x2800, s9;
	s22 =	sadd.s32 $0x3E80, s8  }
0xa: {  	s10 =	smul.u32 $0x2780, s9;
	s23 =	sadd.s32 $0x7D00, s8;
	[dreg:$0x3] =	wrdreg s22  }
0xb: {  	s0 =	ssub.s32 s0, s21;
	s24 =	sadd.s32 $0xBB80, s8;
	[dreg:$0x4] =	wrdreg s23  }
0xc: {  	s21 =	simm.s32 $0x7D;
	s25 =	sadd.s32 $0xFA00, s8;
	[dreg:$0x5] =	wrdreg s24  }
0xd: {  	s18 =	smax.u32 s0, $0x1;
	s11 =	sshrl.u32 s4, $0x3;
	[dreg:$0x6] =	wrdreg s25  }
0xe: {  	s12 =	sadd.s32 s11, s1;
	s1 =	sadd.s32 s10, s1;
	s10 =	smul.u32 $0x28000, s9  }
0xf: {  	s22 =	simm.s32 $0x2800;
	s23 =	simm.s32 $0x80;
	s24 =	simm.s32 $0x400  }
0x10: {  	s15 =	sadd.s32 s6, s11;
	s14 =	sadd.s32 $0xA0A00, s12;
	s26 =	sshrl.u32 s10, $0x3  }
0x11: {  	v0 =	vimm.f32 $0.0e+00;
	s17 =	sadd.s32 $0xDBC00, s1;
	s16 =	sadd.s32 s7, s26;
	s26 =	simm.s32 $0x1  }
.LBB2_1:
0x12: {  	s0 =	simm.s32 $0x0;
	s1 =	simm.s32 $0x200  }
.LBB2_2:
0x13: {  	p0 =	sne.s32 s1, $0xF800;
	[tilespmem:s0+$0x3970] =	vst v0  }
0x14: {  	[tilespmem:s0+$0x3900] =	vst v0  }
0x15: {  	[tilespmem:s0+$0x3910] =	vst v0  }
.Ltmp0:
0x16: {  	[tilespmem:s0+$0x3920] =	vst v0;
	(pc) =	sbr.rel @p0 .LBB2_2-.Ltmp0, $4  }
0x17: {  	[tilespmem:s0+$0x3930] =	vst v0  }
0x18: {  	[tilespmem:s0+$0x3940] =	vst v0  }
0x19: {  	[tilespmem:s0+$0x3950] =	vst v0  }
0x1a: {  	[tilespmem:s0+$0x3960] =	vst v0;
	s0 =	sshra.s32 s1, $0x2;
	s1 =	sadd.s32 $0x200, s1  }
0x1b: {  	[tilespmem:s0+$0x3970] =	vst v0  }
0x1c: {  	[tilespmem:s0+$0x3900] =	vst v0  }
0x1d: {  	[tilespmem:s0+$0x3910] =	vst v0  }
0x1e: {  	[tilespmem:s0+$0x3920] =	vst v0  }
0x1f: {  	[tilespmem:s0+$0x3930] =	vst v0  }
0x20: {  	[tilespmem:s0+$0x3940] =	vst v0  }
0x21: {  	[tilespmem:s0+$0x3950] =	vst v0  }
0x22: {  	[tilespmem:s0+$0x3960] =	vst v0  }
0x23: {  	[spmem:s8] =	stream.linear.scatter [tilespmem:s19], [sflag:$0x3], $0x3E80, $0x38;
	[tilespmem:$0x1F180] =	vst v63  }
0x24: {  	_ =	swait.ge [sflag:s20], $0x3E80  }
0x25: {  	[sflag:s20] =	ssyncset.done $0x0  }
0x26: {  	s11 =	rddreg [dreg:$0x3];
	[sflag:s20] =	ssyncadd.s32 $0xFFFFC180  }
0x27: {  	[spmem:s11] =	stream.linear.scatter [tilespmem:s19], [sflag:$0x3], $0x3E80, $0x38;
	[tilespmem:$0x1F180] =	vst v63  }
0x28: {  	_ =	swait.ge [sflag:s20], $0x3E80  }
0x29: {  	[sflag:s20] =	ssyncset.done $0x0  }
0x2a: {  	s12 =	rddreg [dreg:$0x4];
	[sflag:s20] =	ssyncadd.s32 $0xFFFFC180  }
0x2b: {  	[spmem:s12] =	stream.linear.scatter [tilespmem:s19], [sflag:$0x3], $0x3E80, $0x38;
	[tilespmem:$0x1F180] =	vst v63  }
0x2c: {  	_ =	swait.ge [sflag:s20], $0x3E80  }
0x2d: {  	[sflag:s20] =	ssyncset.done $0x0  }
0x2e: {  	s13 =	rddreg [dreg:$0x5];
	[sflag:s20] =	ssyncadd.s32 $0xFFFFC180  }
0x2f: {  	[spmem:s13] =	stream.linear.scatter [tilespmem:s19], [sflag:$0x3], $0x3E80, $0x38;
	[tilespmem:$0x1F180] =	vst v63  }
0x30: {  	_ =	swait.ge [sflag:s20], $0x3E80  }
0x31: {  	[sflag:s20] =	ssyncset.done $0x0  }
0x32: {  	s25 =	rddreg [dreg:$0x6];
	[sflag:s20] =	ssyncadd.s32 $0xFFFFC180  }
0x33: {  	[spmem:s25] =	stream.linear.scatter [tilespmem:s19], [sflag:$0x3], $0x3E80, $0x38;
	[tilespmem:$0x1F180] =	vst v63  }
0x34: {  	_ =	swait.ge [sflag:s20], $0x3E80  }
0x35: {  	[sflag:s20] =	ssyncset.done $0x0  }
0x36: {  	[sflag:s20] =	ssyncadd.s32 $0xFFFFC180  }
0x37: {  	s0 =	simm.s32 $0x0;
	[bflag:$0x0] =	sbarrier.arrive $0xFFFF  }
0x38: {  	[tilespmem:s0], [sflag:$0x3] =	stream.linear.gather [hbm4b:s14+s0], $0x2800, $0x38;
	[tilespmem:$0x1F180] =	vst v63  }
0x39: {  	_ =	swait.ge [sflag:s20], $0x2800  }
0x3a: {  	[sflag:s20] =	ssyncset.done $0x0  }
0x3b: {  	[sflag:s20] =	ssyncadd.s32 $0xFFFFD800  }
0x3c: {  	[tilespmem:s19], [sflag:$0x1] =	stream.indirect.gather [hbm4b:s5+s21], $0x80, s0, s21, $0xb8;
	[tilespmem:$0x1F180] =	vst v63  }
0x3d: {  	_ = 	snop  }
0x3e: {  	[tilespmem:s22], [sflag:$0x1] =	stream.linear.gather [hbm4b:s15+s0], $0x80, $0x38;
	[tilespmem:$0x1F180] =	vst v63  }
0x3f: {  	s1 =	simm.s32 $0x2900  }
0x40: {  	[tilespmem:s1], [sflag:$0x1] =	stream.strided.gather [hbm4b:s16+s23], $0x800, s24, s23, $0x38;
	[tilespmem:$0x1F180] =	vst v63  }
0x41: {  	_ =	swait.ge [sflag:s26], $0x3E80  }
0x42: {  	[sflag:s26] =	ssyncset.done $0x0  }
0x43: {  	[sflag:s26] =	ssyncadd.s32 $0xFFFFC180  }
0x44: {  	_ =	swait.ge [sflag:s26], $0x80  }
0x45: {  	[sflag:s26] =	ssyncset.done $0x0  }
0x46: {  	[sflag:s26] =	ssyncadd.s32 $0xFFFFFF80  }
0x47: {  	_ =	swait.ge [sflag:s26], $0x800  }
0x48: {  	[sflag:s26] =	ssyncset.done $0x0  }
0x49: {  	s1 =	simm.s32 $0x0;
	[sflag:s26] =	ssyncadd.s32 $0xFFFFF800  }
.LBB2_4:
0x4a: {  	s9 =	sshll.u32 s1, $0x8;
	s13 =	sshrl.u32 s1, $0x2  }
0x4b: {  	s9 =	sor.u32 $0x80, s9;
	s12 =	sshll.u32 s13, $0xA  }
0x4c: {  	s11 =	sand.u32 $0x3FFFFF80, s9;
	s12 =	sadd.s32 s4, s12;
	s9 =	sand.u32 $0x380, s9  }
0x4d: {  	[tilespmem:s28], [sflag:$0x2] =	stream.indirect.gather [hbm4b:s5+s21], $0x80, s11, s21, $0xb8;
	[tilespmem:$0x1F180] =	vst v63  }
0x4e: {  	s12 =	sor.u32 s12, s9;
	s11 =	sshll.u32 s13, $0xE  }
0x4f: {  	s12 =	sshrl.u32 s12, $0x3;
	s11 =	sadd.s32 s10, s11  }
0x50: {  	s12 =	sadd.s32 s6, s12;
	s9 =	sor.u32 s11, s9  }
0x51: {  	[tilespmem:s29], [sflag:$0x2] =	stream.linear.gather [hbm4b:s12+s0], $0x80, $0x38;
	[tilespmem:$0x1F180] =	vst v63  }
0x52: {  	s9 =	sshrl.u32 s9, $0x3  }
0x53: {  	s9 =	sadd.s32 s7, s9  }
0x54: {  	[tilespmem:s30], [sflag:$0x2] =	stream.strided.gather [hbm4b:s9+s23], $0x800, s24, s23, $0x38;
	[tilespmem:$0x1F180] =	vst v63  }
0x55: {  	s9 =	simm.s32 $0x3940  }
0x56: {  	v5 =	vld [tilespmem:s9+$0x30]  }
0x57: {  	v8 =	vld [tilespmem:s9+$0x10]  }
0x58: {  	s25 =	simm.s32 $0x0;
	v6 =	vld [tilespmem:s9+$0xFFFFFFC0]  }
0x59: {  	v2 =	vld [tilespmem:s25+$0x2900]  }
0x5a: {  	v10 =	vld [tilespmem:s9+$0xFFFFFFE0]  }
0x5b: {  	v1 =	vld [tilespmem:s9+$0xFFFFFFF0]  }
0x5c: {  	v3 =	vld [tilespmem:s9+$0x20]  }
0x5d: {  	v4 =	vld [tilespmem:s9+$0xFFFFFFD0]  }
0x5e: {  	v9 =	vmul.f32 v5, v2;
	v5 =	vld [tilespmem:s9+$0x0]  }
0x5f: {  	v7 =	vmul.f32 v6, v2  }
0x60: {  	s11 =	simm.s32 $0x40;
	s12 =	simm.s32 $0x3940;
	s25 =	sshll.u32 s1, $0x1;
	v6 =	vmul.f32 v10, v2;
	v8 =	vmul.f32 v8, v2  }
.LBB2_5:
0x61: {  	p0 =	sne.s32 s11, $0x1F00  }
0x62: {  	v4 =	vmul.f32 v4, v2;
	v3 =	vmul.f32 v3, v2;
	[tilespmem:s9+$0x30] =	vst v9;
	s12 =	sadd.s32 $0x80, s12;
	s13 =	smov.u32 s11;
	s11 =	sadd.s32 $0x40, s11  }
0x63: {  	[tilespmem:s9+$0xFFFFFFC0] =	vst v7;
	v7 =	vmul.f32 v1, v2;
	v2 =	vmul.f32 v5, v2  }
0x64: {  	[tilespmem:s9+$0x10] =	vst v8  }
0x65: {  	v1 =	vld [tilespmem:s12+$0xFFFFFFF0];
	[tilespmem:s9+$0xFFFFFFE0] =	vst v6  }
0x66: {  	v6 =	vld [tilespmem:s12+$0x30];
	[tilespmem:s9+$0xFFFFFFF0] =	vst v7  }
0x67: {  	v8 =	vld [tilespmem:s12+$0x10];
	[tilespmem:s9+$0x0] =	vst v2  }
0x68: {  	v7 =	vld [tilespmem:s12+$0xFFFFFFC0];
	[tilespmem:s9+$0x20] =	vst v3  }
0x69: {  	s13 =	sshra.s32 s13, $0x2;
	v10 =	vld [tilespmem:s12+$0xFFFFFFE0];
	[tilespmem:s9+$0xFFFFFFD0] =	vst v4;
	s9 =	smov.u32 s12  }
0x6a: {  	v2 =	vld [tilespmem:s13+$0x2900]  }
0x6b: {  	v3 =	vld [tilespmem:s12+$0x20]  }
.Ltmp1:
0x6c: {  	v4 =	vld [tilespmem:s12+$0xFFFFFFD0];
	(pc) =	sbr.rel @p0 .LBB2_5-.Ltmp1, $3  }
0x6d: {  	v5 =	vld [tilespmem:s12+$0x0];
	_ =	sdelay $0x1  }
0x6e: {  	v7 =	vmul.f32 v7, v2;
	v9 =	vmul.f32 v6, v2  }
0x6f: {  	v6 =	vmul.f32 v10, v2;
	v8 =	vmul.f32 v8, v2  }
0x70: {  	[tilespmem:s9+$0x30] =	vst v9  }
0x71: {  	[tilespmem:s9+$0xFFFFFFC0] =	vst v7  }
0x72: {  	v1 =	vmul.f32 v1, v2;
	[tilespmem:s9+$0x10] =	vst v8  }
0x73: {  	v3 =	vmul.f32 v3, v2;
	[tilespmem:s9+$0xFFFFFFE0] =	vst v6  }
0x74: {  	v5 =	vmul.f32 v5, v2;
	[tilespmem:s9+$0xFFFFFFF0] =	vst v1  }
0x75: {  	v1 =	vmul.f32 v4, v2;
	[tilespmem:s9+$0x20] =	vst v3  }
0x76: {  	[tilespmem:s9+$0x0] =	vst v5  }
0x77: {  	[tilespmem:s9+$0xFFFFFFD0] =	vst v1  }
0x78: {  	_ =	swait.ge [sflag:s31], $0x3E80  }
0x79: {  	[sflag:s31] =	ssyncset.done $0x0  }
0x7a: {  	[sflag:s31] =	ssyncadd.s32 $0xFFFFC180  }
0x7b: {  	_ =	swait.ge [sflag:s31], $0x80  }
0x7c: {  	[sflag:s31] =	ssyncset.done $0x0  }
0x7d: {  	[sflag:s31] =	ssyncadd.s32 $0xFFFFFF80  }
0x7e: {  	_ =	swait.ge [sflag:s31], $0x800  }
0x7f: {  	[sflag:s31] =	ssyncset.done $0x0  }
0x80: {  	p0 =	seq.s32 s1, $0x27;
	[sflag:s31] =	ssyncadd.s32 $0xFFFFF800  }
0x81: {  	[spmem:s2] =	stream.indirect.scatter.add.f32 [tilespmem:s19], [sflag:$0x3], $0x80, s22, s21, $0xb8;
	[tilespmem:$0x1F180] =	vst v63  }
0x82: {  	s13 =	simm.s32 @!p0 $0x7D;
	s9 =	sadd.s32 @!p0 $0x2, s25;
	_ =	swait.ge [sflag:s20], $0x3E80  }
0x83: {  	s25 =	simm.s32 @!p0 $0x3900;
	s11 =	sshll.u32 @!p0 s9, $0x7;
	[sflag:s20] =	ssyncset.done $0x0  }
0x84: {  	s9 =	sshrl.u32 @!p0 s9, $0x3;
	s12 =	sand.u32 @!p0 $0x3FFFFF80, s11;
	[sflag:s20] =	ssyncadd.s32 $0xFFFFC180  }
0x85: {  	[tilespmem:s25], [sflag:$0x1] =	stream.indirect.gather @!p0 [hbm4b:s5+s13], $0x80, s12, s13, $0xb8;
	[tilespmem:$0x1F180] =	vst v63  }
0x86: {  	s12 =	sshll.u32 @!p0 s9, $0xA  }
0x87: {  	s11 =	sand.u32 @!p0 $0x300, s11;
	s9 =	sshll.u32 @!p0 s9, $0xE;
	s12 =	sadd.s32 @!p0 s4, s12  }
0x88: {  	s13 =	simm.s32 @!p0 $0x0;
	s9 =	sadd.s32 @!p0 s10, s9;
	s12 =	sor.u32 @!p0 s11, s12  }
0x89: {  	s25 =	simm.s32 @!p0 $0x2800;
	s9 =	sor.u32 @!p0 s11, s9;
	s12 =	sshrl.u32 @!p0 s12, $0x3  }
0x8a: {  	s11 =	simm.s32 @!p0 $0x80;
	s9 =	sshrl.u32 @!p0 s9, $0x3;
	s12 =	sadd.s32 @!p0 s6, s12  }
0x8b: {  	[tilespmem:s25], [sflag:$0x1] =	stream.linear.gather @!p0 [hbm4b:s12+s13], $0x80, $0x38;
	[tilespmem:$0x1F180] =	vst v63  }
0x8c: {  	s9 =	sadd.s32 @!p0 s7, s9;
	s12 =	simm.s32 @!p0 $0x400;
	s13 =	simm.s32 @!p0 $0x2900  }
0x8d: {  	[tilespmem:s13], [sflag:$0x1] =	stream.strided.gather @!p0 [hbm4b:s9+s11], $0x800, s12, s11, $0x38;
	[tilespmem:$0x1F180] =	vst v63  }
0x8e: {  	s9 =	simm.s32 $0x7940  }
0x8f: {  	v5 =	vld [tilespmem:s9+$0x30]  }
0x90: {  	v8 =	vld [tilespmem:s9+$0x10]  }
0x91: {  	s25 =	simm.s32 $0x0;
	v6 =	vld [tilespmem:s9+$0xFFFFFFC0]  }
0x92: {  	v2 =	vld [tilespmem:s25+$0x3100]  }
0x93: {  	v10 =	vld [tilespmem:s9+$0xFFFFFFE0]  }
0x94: {  	v1 =	vld [tilespmem:s9+$0xFFFFFFF0]  }
0x95: {  	v3 =	vld [tilespmem:s9+$0x20]  }
0x96: {  	v4 =	vld [tilespmem:s9+$0xFFFFFFD0]  }
0x97: {  	v9 =	vmul.f32 v5, v2;
	v5 =	vld [tilespmem:s9+$0x0]  }
0x98: {  	v7 =	vmul.f32 v6, v2  }
0x99: {  	s11 =	simm.s32 $0x40;
	s12 =	simm.s32 $0x7940;
	v6 =	vmul.f32 v10, v2;
	v8 =	vmul.f32 v8, v2  }
.LBB2_7:
0x9a: {  	p1 =	sne.s32 s11, $0x1F00  }
0x9b: {  	v4 =	vmul.f32 v4, v2;
	v3 =	vmul.f32 v3, v2;
	[tilespmem:s9+$0x30] =	vst v9;
	s12 =	sadd.s32 $0x80, s12;
	s13 =	smov.u32 s11;
	s11 =	sadd.s32 $0x40, s11  }
0x9c: {  	[tilespmem:s9+$0xFFFFFFC0] =	vst v7;
	v7 =	vmul.f32 v1, v2;
	v2 =	vmul.f32 v5, v2  }
0x9d: {  	[tilespmem:s9+$0x10] =	vst v8  }
0x9e: {  	v1 =	vld [tilespmem:s12+$0xFFFFFFF0];
	[tilespmem:s9+$0xFFFFFFE0] =	vst v6  }
0x9f: {  	v6 =	vld [tilespmem:s12+$0x30];
	[tilespmem:s9+$0xFFFFFFF0] =	vst v7  }
0xa0: {  	v8 =	vld [tilespmem:s12+$0x10];
	[tilespmem:s9+$0x0] =	vst v2  }
0xa1: {  	v7 =	vld [tilespmem:s12+$0xFFFFFFC0];
	[tilespmem:s9+$0x20] =	vst v3  }
0xa2: {  	s13 =	sshra.s32 s13, $0x2;
	v10 =	vld [tilespmem:s12+$0xFFFFFFE0];
	[tilespmem:s9+$0xFFFFFFD0] =	vst v4;
	s9 =	smov.u32 s12  }
0xa3: {  	v2 =	vld [tilespmem:s13+$0x3100]  }
0xa4: {  	v3 =	vld [tilespmem:s12+$0x20]  }
.Ltmp2:
0xa5: {  	v4 =	vld [tilespmem:s12+$0xFFFFFFD0];
	(pc) =	sbr.rel @p1 .LBB2_7-.Ltmp2, $3  }
0xa6: {  	v5 =	vld [tilespmem:s12+$0x0];
	_ =	sdelay $0x1  }
0xa7: {  	v7 =	vmul.f32 v7, v2;
	v9 =	vmul.f32 v6, v2  }
0xa8: {  	v6 =	vmul.f32 v10, v2;
	v8 =	vmul.f32 v8, v2  }
0xa9: {  	[tilespmem:s9+$0x30] =	vst v9  }
0xaa: {  	[tilespmem:s9+$0xFFFFFFC0] =	vst v7  }
0xab: {  	v1 =	vmul.f32 v1, v2;
	[tilespmem:s9+$0x10] =	vst v8  }
0xac: {  	v3 =	vmul.f32 v3, v2;
	[tilespmem:s9+$0xFFFFFFE0] =	vst v6  }
0xad: {  	v5 =	vmul.f32 v5, v2;
	[tilespmem:s9+$0xFFFFFFF0] =	vst v1  }
0xae: {  	v1 =	vmul.f32 v4, v2;
	[tilespmem:s9+$0x20] =	vst v3  }
0xaf: {  	[tilespmem:s9+$0x0] =	vst v5  }
0xb0: {  	[tilespmem:s9+$0xFFFFFFD0] =	vst v1;
	s9 =	simm.s32 @!p0 $0x1  }
0xb1: {  	_ =	swait.ge @!p0 [sflag:s9], $0x3E80  }
0xb2: {  	[sflag:s9] =	ssyncset.done @!p0 $0x0  }
0xb3: {  	[sflag:s9] =	ssyncadd.s32 @!p0 $0xFFFFC180  }
0xb4: {  	_ =	swait.ge @!p0 [sflag:s9], $0x80  }
0xb5: {  	[sflag:s9] =	ssyncset.done @!p0 $0x0  }
0xb6: {  	[sflag:s9] =	ssyncadd.s32 @!p0 $0xFFFFFF80  }
0xb7: {  	_ =	swait.ge @!p0 [sflag:s9], $0x800  }
0xb8: {  	s1 =	sadd.s32 $0x1, s1;
	[sflag:s9] =	ssyncset.done @!p0 $0x0  }
0xb9: {  	[sflag:s9] =	ssyncadd.s32 @!p0 $0xFFFFF800;
	p0 =	sne.s32 s1, $0x28  }
.Ltmp3:
0xba: {  	_ = 	snop;
	(pc) =	sbr.rel @p0 .LBB2_4-.Ltmp3, $4  }
0xbb: {  	[spmem:s2] =	stream.indirect.scatter.add.f32 [tilespmem:s28], [sflag:$0x3], $0x80, s29, s21, $0xb8;
	[tilespmem:$0x1F180] =	vst v63  }
0xbc: {  	_ =	swait.ge [sflag:s20], $0x3E80  }
0xbd: {  	[sflag:s20] =	ssyncset.done $0x0  }
0xbe: {  	[sflag:s20] =	ssyncadd.s32 $0xFFFFC180  }
0xbf: {  	s0 =	stileid.u32;
	s3 =	sadd.s32 $0x1, s3  }
0xc0: {  	[bflag:$0x0] =	sbarrier.arrive $0xFFFF;
	s0 =	sshll.u32 s0, $0x6;
	p0 =	sne.s32 s3, s18  }
.Ltmp4:
0xc1: {  	s1 =	sshrl.u32 s8, $0x3;
	s0 =	sor.u32 $0x1C03, s0;
	(pc) =	sbr.rel @p0 .LBB2_1-.Ltmp4, $4  }
0xc2: {  	[hbm:s17], [sflag:s0] =	dma.local [spmem:s1], $0x2710  }
0xc3: {  	_ =	swait.ge [sflag:s20], $0x2710  }
0xc4: {  	[sflag:s20] =	ssyncset.done $0x0  }
0xc5: {  	[sflag:s20] =	ssyncadd.s32 $0xFFFFD8F0  }
0xc6: {  	_ =	sfence.sel $0x180000  }
0xc7: {  	[bflag:$0x0] =	sbarrier.arrive $0xFFFF  }
0xc8: {  	_ =	strace $0x90000047  }
0xc9: {  	s0 =	stileid.u32;
	[bflag:$0x2] =	sbarrier.arrive $0xFFFF  }
0xca: {  	p0 =	sne.s32 s0, $0x0;
	s0 =	rddreg [dreg:$0x2]  }
0xcb: {  	s0 =	sadd.s32 @!p0 $0x100000, s0  }
0xcc: {  	[sflag:s0] =	ssyncadd.tile.s32 @!p0 $0x1;
	_ =	shalt  }
.Lfunc_end2:
_tile_overlayer_lowered:
.L_overlay_start_2:
0xcd: {  	(tag) =	ssettag $0x2  }
0xce: {  	s0 =	rddreg [dreg:$0x0];
	s2 =	stileid.u32  }
0xcf: {  	s1 =	rddreg [dreg:$0x1];
	p0 =	sne.s32 s2, $0x0  }
0xd0: {  	s3 =	rddreg [dreg:$0x2];
	[bflag:$0x3] =	sbarrier.arrive $0xFFFF;
	s2 =	simm.s32 @!p0 $0x1C03  }
0xd1: {  	[timem:s3], [sflag:s2] =	dma.local @!p0 [hbm:s0], s1  }
0xd2: {  	s0 =	simm.s32 @!p0 $0x3  }
0xd3: {  	_ =	swait.ge @!p0 [sflag:s0], s1  }
0xd4: {  	s1 =	ssub.s32 @!p0 $0x0, s1;
	[sflag:s0] =	ssyncset.done @!p0 $0x0  }
0xd5: {  	[sflag:s0] =	ssyncadd.s32 @!p0 s1  }
0xd6: {  	[bflag:$0x3] =	sbarrier.arrive $0xFFFF  }
0xd7: {  	_ =	shalt  }

</sc_bundles>
